<compile_context>
chip_gen: v7x
topology: tpu7x:2x2x1
jax: 0.10.2.dev20260603
libtpu: 0.0.44.dev20260713+nightly
codegen_flags: <defaults>
</compile_context>

<pallas_src>
import functools

import jax
import jax.numpy as jnp
from jax import lax
from jax.experimental import pallas as pl
from jax.experimental.pallas import tpu as pltpu
from jax.experimental.pallas import tpu_sc as plsc

N = 10000
E = 320000
D_IN = 128
D_HID = 64
D_OUT = 128

NC = 2
NS = 16
NW = NC * NS

KC = 512
EP = 327680
NP = 10240
RPT = NP // NS
OPT = N // NS

R = 400
GRID = N // R



def _deg_kernel(dst_hbm, ones_hbm, z_hbm, out_hbm, db0, db1, ones_v, acc,
                id0, id1):
  cpt = EP // KC // NW
  c = lax.axis_index("c")
  s = lax.axis_index("s")
  wid = c * NS + s
  base = wid * cpt
  pltpu.sync_copy(z_hbm, acc.at[pl.ds(s * RPT, RPT)])
  pltpu.sync_copy(ones_hbm, ones_v)
  pltpu.sync_copy(dst_hbm.at[pl.ds(base * KC, KC)], db0)
  plsc.subcore_barrier()
  pltpu.async_copy(dst_hbm.at[pl.ds((base + 1) * KC, KC)], db1, id1)

  def body(t, carry):
    j0 = 2 * t
    j1 = j0 + 1

    @pl.when(t > 0)
    def _():
      pltpu.make_async_copy(dst_hbm.at[pl.ds(0, KC)], db0, id0).wait()

    pltpu.sync_copy(ones_v, acc.at[db0], add=True)

    @pl.when(j0 + 2 < cpt)
    def _():
      pltpu.async_copy(dst_hbm.at[pl.ds((base + j0 + 2) * KC, KC)], db0, id0)

    pltpu.make_async_copy(dst_hbm.at[pl.ds(0, KC)], db1, id1).wait()
    pltpu.sync_copy(ones_v, acc.at[db1], add=True)

    @pl.when(j1 + 2 < cpt)
    def _():
      pltpu.async_copy(dst_hbm.at[pl.ds((base + j1 + 2) * KC, KC)], db1, id1)

    return carry

  lax.fori_loop(0, cpt // 2, body, 0)
  plsc.subcore_barrier()
  pltpu.sync_copy(acc.at[pl.ds(s * OPT, OPT)],
                  out_hbm.at[c].at[pl.ds(s * OPT, OPT)])


def _make_deg():
  mesh = plsc.VectorSubcoreMesh(core_axis_name="c", subcore_axis_name="s",
                                num_cores=NC, num_subcores=NS)
  return pl.kernel(
      _deg_kernel,
      out_type=jax.ShapeDtypeStruct((NC, N, 16), jnp.float32),
      mesh=mesh,
      scratch_types=[
          pltpu.VMEM((KC,), jnp.int32),
          pltpu.VMEM((KC,), jnp.int32),
          pltpu.VMEM((KC, 16), jnp.float32),
          pltpu.VMEM_SHARED((NP, 16), jnp.float32),
          pltpu.SemaphoreType.DMA,
          pltpu.SemaphoreType.DMA,
      ],
      compiler_params=pltpu.CompilerParams(use_tc_tiling_on_sc=False),
  )


def _acc_init(ys, z_hbm, acc, c, s, col_split):
  lo = s * RPT

  def init_from_y(ysrc):
    @pl.when(lo + RPT <= N)
    def _():
      pltpu.sync_copy(ysrc.at[pl.ds(lo, RPT)], acc.at[pl.ds(lo, RPT)])

    @pl.when(lo + RPT > N)
    def _():
      pltpu.sync_copy(ysrc.at[pl.ds(N - RPT + 240, RPT - 240)],
                      acc.at[pl.ds(lo, RPT - 240)])
      pltpu.sync_copy(z_hbm.at[pl.ds(0, 240)], acc.at[pl.ds(N, 240)])

  if col_split:
    init_from_y(ys.at[c])
  else:
    @pl.when(c == 0)
    def _():
      init_from_y(ys)

    @pl.when(c != 0)
    def _():
      pltpu.sync_copy(z_hbm, acc.at[pl.ds(lo, RPT)])


def _agg_body(col_split, ys, src_hbm, dst_hbm, z_hbm, out_hbm,
              sb0, db0, sb1, db1, msg0, msg1, acc,
              gs0, gs1, is0, id0, is1, id1):
  c = lax.axis_index("c")
  s = lax.axis_index("s")
  if col_split:
    cpt = EP // KC // NS
    base = s * cpt
    ysrc = ys.at[c]
  else:
    cpt = EP // KC // NW
    base = (c * NS + s) * cpt
    ysrc = ys

  _acc_init(ys, z_hbm, acc, c, s, col_split)

  pltpu.sync_copy(src_hbm.at[pl.ds(base * KC, KC)], sb0)
  pltpu.sync_copy(dst_hbm.at[pl.ds(base * KC, KC)], db0)
  plsc.subcore_barrier()
  pltpu.async_copy(ysrc.at[sb0], msg0, gs0)
  pltpu.async_copy(src_hbm.at[pl.ds((base + 1) * KC, KC)], sb1, is1)
  pltpu.async_copy(dst_hbm.at[pl.ds((base + 1) * KC, KC)], db1, id1)

  def body(t, carry):
    j0 = 2 * t
    j1 = j0 + 1
    pltpu.make_async_copy(ysrc.at[sb0], msg0, gs0).wait()
    pltpu.make_async_copy(src_hbm.at[pl.ds(0, KC)], sb1, is1).wait()
    pltpu.make_async_copy(dst_hbm.at[pl.ds(0, KC)], db1, id1).wait()
    pltpu.async_copy(ysrc.at[sb1], msg1, gs1)
    pltpu.sync_copy(msg0, acc.at[db0], add=True)

    @pl.when(j0 + 2 < cpt)
    def _():
      pltpu.async_copy(src_hbm.at[pl.ds((base + j0 + 2) * KC, KC)], sb0, is0)
      pltpu.async_copy(dst_hbm.at[pl.ds((base + j0 + 2) * KC, KC)], db0, id0)

    pltpu.make_async_copy(ysrc.at[sb1], msg1, gs1).wait()

    @pl.when(j0 + 2 < cpt)
    def _():
      pltpu.make_async_copy(src_hbm.at[pl.ds(0, KC)], sb0, is0).wait()
      pltpu.make_async_copy(dst_hbm.at[pl.ds(0, KC)], db0, id0).wait()
      pltpu.async_copy(ysrc.at[sb0], msg0, gs0)

    pltpu.sync_copy(msg1, acc.at[db1], add=True)

    @pl.when(j1 + 2 < cpt)
    def _():
      pltpu.async_copy(src_hbm.at[pl.ds((base + j1 + 2) * KC, KC)], sb1, is1)
      pltpu.async_copy(dst_hbm.at[pl.ds((base + j1 + 2) * KC, KC)], db1, id1)

    return carry

  lax.fori_loop(0, cpt // 2, body, 0)
  plsc.subcore_barrier()
  pltpu.sync_copy(acc.at[pl.ds(s * OPT, OPT)],
                  out_hbm.at[c].at[pl.ds(s * OPT, OPT)])


def _make_agg(col_split):
  mesh = plsc.VectorSubcoreMesh(core_axis_name="c", subcore_axis_name="s",
                                num_cores=NC, num_subcores=NS)
  return pl.kernel(
      functools.partial(_agg_body, col_split),
      out_type=jax.ShapeDtypeStruct((NC, N, D_HID), jnp.float32),
      mesh=mesh,
      scratch_types=[
          pltpu.VMEM((KC,), jnp.int32),
          pltpu.VMEM((KC,), jnp.int32),
          pltpu.VMEM((KC,), jnp.int32),
          pltpu.VMEM((KC,), jnp.int32),
          pltpu.VMEM((KC, D_HID), jnp.float32),
          pltpu.VMEM((KC, D_HID), jnp.float32),
          pltpu.VMEM_SHARED((NP, D_HID), jnp.float32),
          pltpu.SemaphoreType.DMA,
          pltpu.SemaphoreType.DMA,
          pltpu.SemaphoreType.DMA,
          pltpu.SemaphoreType.DMA,
          pltpu.SemaphoreType.DMA,
          pltpu.SemaphoreType.DMA,
      ],
      compiler_params=pltpu.CompilerParams(use_tc_tiling_on_sc=False),
  )



def _mm_kernel(x_ref, w_ref, o_ref):
  o_ref[...] = jnp.dot(x_ref[...], w_ref[...],
                       preferred_element_type=jnp.float32)


def _mid_kernel(aggp_ref, degp_ref, b1_ref, w2_ref, y2_ref):
  dis = lax.rsqrt(degp_ref[0, :, 0] + degp_ref[1, :, 0] + 1.0)
  a = aggp_ref[0] + aggp_ref[1]
  h = jnp.maximum(a * dis[:, None] + b1_ref[...][None, :], 0.0)
  y2 = jnp.dot(h, w2_ref[...], preferred_element_type=jnp.float32)
  y2 = y2 * dis[:, None]
  y2_ref[0] = y2[:, :D_HID]
  y2_ref[1] = y2[:, D_HID:]


def _tc_mid(aggp, degp, b1, w2):
  return pl.pallas_call(
      _mid_kernel,
      grid=(GRID,),
      in_specs=[
          pl.BlockSpec((NC, R, D_HID), lambda i: (0, i, 0)),
          pl.BlockSpec((NC, R, 16), lambda i: (0, i, 0)),
          pl.BlockSpec((D_HID,), lambda i: (0,)),
          pl.BlockSpec((D_HID, D_OUT), lambda i: (0, 0)),
      ],
      out_specs=pl.BlockSpec((NC, R, D_HID), lambda i: (0, i, 0)),
      out_shape=jax.ShapeDtypeStruct((NC, N, D_HID), jnp.float32),
  )(aggp, degp, b1, w2)


def _tc_mm(x, w, din, dout):
  return pl.pallas_call(
      _mm_kernel,
      grid=(GRID,),
      in_specs=[
          pl.BlockSpec((R, din), lambda i: (i, 0)),
          pl.BlockSpec((din, dout), lambda i: (0, 0)),
      ],
      out_specs=pl.BlockSpec((R, dout), lambda i: (i, 0)),
      out_shape=jax.ShapeDtypeStruct((N, dout), jnp.float32),
  )(x, w)



@jax.jit
def _run(x, edge_index, w1, b1, w2, b2):
  pad = jnp.arange(EP - E, dtype=jnp.int32) % 240
  src = jnp.concatenate([edge_index[0].astype(jnp.int32), pad])
  dst = jnp.concatenate([edge_index[1].astype(jnp.int32), pad + N])

  ones16 = jnp.ones((KC, 16), jnp.float32)
  z16 = jnp.zeros((RPT, 16), jnp.float32)
  zh = jnp.zeros((RPT, D_HID), jnp.float32)

  degp = _make_deg()(dst, ones16, z16)
  xw = _tc_mm(x, w1, D_IN, D_HID)
  dis = lax.rsqrt(degp[0, :, 0] + degp[1, :, 0] + 1.0)
  y1 = xw * dis[:, None]
  agg1 = _make_agg(False)(y1, src, dst, zh)
  y2s = _tc_mid(agg1, degp, b1, w2)
  agg2 = _make_agg(True)(y2s, src, dst, zh)
  q = jnp.concatenate([agg2[0], agg2[1]], axis=1)
  return q * dis[:, None] + b2[None, :]


def kernel(x, edge_index, W1, b1, W2, b2):
  return _run(x, edge_index, W1, b1, W2, b2)

# --- scband reference (transcript-rebuilt; emitter-appended) ---
"""Pipeline reference for scband-simple-net-31516470018048 (READ-ONLY COPY).

The authoritative reference and input builder live on the scoring server;
editing this copy changes nothing except your own understanding.
"""

import jax, jax.numpy as jnp
import numpy as np

N_NODES = 10000
N_EDGES = 320000
D_IN = 128
D_HID = 64
D_OUT = 128


def gcn_conv(x, edge_index, W, b, num_nodes):
    # PyG GCNConv: x' = D^{-1/2} (A + I) D^{-1/2} X W + b
    x = x @ W
    loop = jnp.arange(num_nodes, dtype=edge_index.dtype)
    src = jnp.concatenate([edge_index[0], loop])
    dst = jnp.concatenate([edge_index[1], loop])
    ones = jnp.ones(src.shape[0], dtype=x.dtype)
    deg = jax.ops.segment_sum(ones, dst, num_segments=num_nodes)
    deg_inv_sqrt = jnp.where(deg > 0, jax.lax.rsqrt(jnp.maximum(deg, 1e-12)), 0.0)
    norm = deg_inv_sqrt[src] * deg_inv_sqrt[dst]
    msg = norm[:, None] * jnp.take(x, src, axis=0)
    out = jax.ops.segment_sum(msg, dst, num_segments=num_nodes)
    return out + b


def setup_inputs(seed: int = 0) -> dict:
    key = jax.random.key(seed)
    k1, k2, k3, k4, k5, k6 = jax.random.split(key, 6)
    x = jax.random.normal(k1, (N_NODES, D_IN), dtype=jnp.float32)
    edge_index = jax.random.randint(k2, (2, N_EDGES), 0, N_NODES)
    # glorot-style init for GCN weights, zeros for bias (PyG default)
    s1 = float(np.sqrt(6.0 / (D_IN + D_HID)))
    s2 = float(np.sqrt(6.0 / (D_HID + D_OUT)))
    W1 = jax.random.uniform(k3, (D_IN, D_HID), minval=-s1, maxval=s1, dtype=jnp.float32)
    b1 = jnp.zeros((D_HID,), dtype=jnp.float32)
    W2 = jax.random.uniform(k4, (D_HID, D_OUT), minval=-s2, maxval=s2, dtype=jnp.float32)
    b2 = jnp.zeros((D_OUT,), dtype=jnp.float32)
    return {"x": x, "edge_index": edge_index, "W1": W1, "b1": b1, "W2": W2, "b2": b2}


def reference(x, edge_index, W1, b1, W2, b2):
    num_nodes = x.shape[0]
    h = gcn_conv(x, edge_index, W1, b1, num_nodes)
    h = jax.nn.relu(h)
    # F.dropout(x, training=self.training) is identity in eval mode
    out = gcn_conv(h, edge_index, W2, b2, num_nodes)
    return out

if __name__ == "__main__":
    import jax
    _d = setup_inputs()
    print(jax.jit(kernel)(*tuple(_d.values())))

</pallas_src>

<mosaic_0001>
#map = affine_map<(d0, d1) -> (0, 0, 0)>
#map1 = affine_map<(d0, d1) -> (0)>
#map2 = affine_map<(d0, d1) -> (0, 0)>
module attributes {stable_mosaic.version = 14 : i64} {
  func.func @_agg_body(%arg0: i32, %arg1: i32, %arg2: memref<2x10000x64xf32, #tpu.memory_space<hbm>>, %arg3: memref<327680xi32, #tpu.memory_space<hbm>>, %arg4: memref<327680xi32, #tpu.memory_space<hbm>>, %arg5: memref<640x64xf32, #tpu.memory_space<hbm>>, %arg6: memref<2x10000x64xf32, #tpu.memory_space<hbm>>, %arg7: memref<512xi32, #tpu.memory_space<vmem>>, %arg8: memref<512xi32, #tpu.memory_space<vmem>>, %arg9: memref<512xi32, #tpu.memory_space<vmem>>, %arg10: memref<512xi32, #tpu.memory_space<vmem>>, %arg11: memref<512x64xf32, #tpu.memory_space<vmem>>, %arg12: memref<512x64xf32, #tpu.memory_space<vmem>>, %arg13: memref<10240x64xf32, #tpu.memory_space<vmem_shared>>, %arg14: memref<!tpu.dma_semaphore, #tpu.memory_space<semaphore_mem>>, %arg15: memref<!tpu.dma_semaphore, #tpu.memory_space<semaphore_mem>>, %arg16: memref<!tpu.dma_semaphore, #tpu.memory_space<semaphore_mem>>, %arg17: memref<!tpu.dma_semaphore, #tpu.memory_space<semaphore_mem>>, %arg18: memref<!tpu.dma_semaphore, #tpu.memory_space<semaphore_mem>>, %arg19: memref<!tpu.dma_semaphore, #tpu.memory_space<semaphore_mem>>) attributes {dimension_semantics = [#tpu.dimension_semantics<core_parallel>, #tpu.dimension_semantics<subcore_parallel>], iteration_bounds = array<i64: 2, 16>, scalar_prefetch = 0 : i64, scratch_operands = 13 : i64, tpu.core_type = #tpu.core_type<sc_vector_subcore>, window_params = [{transform_indices = #map}, {transform_indices = #map1}, {transform_indices = #map1}, {transform_indices = #map2}, {transform_indices = #map}]} {
    %mul3A = arith.constant 40 : i32
    %mul3A_0 = arith.muli %arg1, %mul3A : i32
    %mul3A_1 = arith.constant 640 : i32
    %mul3A_2 = arith.muli %arg1, %mul3A_1 : i32
    %add3A = arith.constant 640 : i32
    %add3A_3 = arith.addi %mul3A_2, %add3A : i32
    %le3A = arith.constant 10000 : i32
    %le3A_4 = arith.cmpi sle, %add3A_3, %le3A : i32
    %convert_element_type3A = arith.extui %le3A_4 : i1 to i32
    %cond3A = arith.constant 0 : i32
    %cond3A_5 = arith.cmpi ne, %convert_element_type3A, %cond3A : i32
    scf.if %cond3A_5 {
      "tpu.region"() ({
        %run_scoped3A = tpu.sem_alloc : memref<!tpu.dma_semaphore, #tpu.memory_space<semaphore_mem>>
        %dma_start3A_44 = arith.constant 0 : i32
        %dma_start3A_45 = tpu.memref_slice %arg13[%mul3A_2, %dma_start3A_44] : memref<10240x64xf32, #tpu.memory_space<vmem_shared>> -> memref<640x64xf32, #tpu.memory_space<vmem_shared>>
        %dma_start3A_46 = arith.constant 0 : i32
        %dma_start3A_47 = arith.constant 0 : i32
        %dma_start3A_48 = tpu.memref_slice %arg2[%arg0, %dma_start3A_46, %dma_start3A_47] : memref<2x10000x64xf32, #tpu.memory_space<hbm>> -> memref<1x10000x64xf32, #tpu.memory_space<hbm>>
        %dma_start3A_49 = tpu.memref_squeeze %dma_start3A_48 : memref<1x10000x64xf32, #tpu.memory_space<hbm>> -> memref<10000x64xf32, #tpu.memory_space<hbm>>
        %dma_start3A_50 = arith.constant 0 : i32
        %dma_start3A_51 = tpu.memref_slice %dma_start3A_49[%mul3A_2, %dma_start3A_50] : memref<10000x64xf32, #tpu.memory_space<hbm>> -> memref<640x64xf32, #tpu.memory_space<hbm>>
        tpu.enqueue_dma source(%dma_start3A_51 : memref<640x64xf32, #tpu.memory_space<hbm>>) target(%dma_start3A_45 : memref<640x64xf32, #tpu.memory_space<vmem_shared>>) target_semaphore(%run_scoped3A : memref<!tpu.dma_semaphore, #tpu.memory_space<semaphore_mem>>)
        %dma_wait3A = arith.constant 0 : i32
        %dma_wait3A_52 = tpu.memref_slice %arg13[%mul3A_2, %dma_wait3A] : memref<10240x64xf32, #tpu.memory_space<vmem_shared>> -> memref<640x64xf32, #tpu.memory_space<vmem_shared>>
        %dma_wait3A_53 = arith.constant 0 : i32
        %dma_wait3A_54 = arith.constant 0 : i32
        %dma_wait3A_55 = tpu.memref_slice %arg2[%arg0, %dma_wait3A_53, %dma_wait3A_54] : memref<2x10000x64xf32, #tpu.memory_space<hbm>> -> memref<1x10000x64xf32, #tpu.memory_space<hbm>>
        %dma_wait3A_56 = tpu.memref_squeeze %dma_wait3A_55 : memref<1x10000x64xf32, #tpu.memory_space<hbm>> -> memref<10000x64xf32, #tpu.memory_space<hbm>>
        %dma_wait3A_57 = arith.constant 0 : i32
        %dma_wait3A_58 = tpu.memref_slice %dma_wait3A_56[%mul3A_2, %dma_wait3A_57] : memref<10000x64xf32, #tpu.memory_space<hbm>> -> memref<640x64xf32, #tpu.memory_space<hbm>>
        tpu.wait_dma2 semaphore(%run_scoped3A : memref<!tpu.dma_semaphore, #tpu.memory_space<semaphore_mem>>) src(%dma_wait3A_58 : memref<640x64xf32, #tpu.memory_space<hbm>>) dst(%dma_wait3A_52 : memref<640x64xf32, #tpu.memory_space<vmem_shared>>)
        tpu.yield
      }) : () -> ()
    } else {
    }
    %add3A_6 = arith.constant 640 : i32
    %add3A_7 = arith.addi %mul3A_2, %add3A_6 : i32
    %gt3A = arith.constant 10000 : i32
    %gt3A_8 = arith.cmpi sgt, %add3A_7, %gt3A : i32
    %convert_element_type3A_9 = arith.extui %gt3A_8 : i1 to i32
    %cond3A_10 = arith.constant 0 : i32
    %cond3A_11 = arith.cmpi ne, %convert_element_type3A_9, %cond3A_10 : i32
    scf.if %cond3A_11 {
      "tpu.region"() ({
        %run_scoped3A = tpu.sem_alloc : memref<!tpu.dma_semaphore, #tpu.memory_space<semaphore_mem>>
        %dma_start3A_44 = arith.constant 0 : i32
        %dma_start3A_45 = tpu.memref_slice %arg13[%mul3A_2, %dma_start3A_44] : memref<10240x64xf32, #tpu.memory_space<vmem_shared>> -> memref<400x64xf32, #tpu.memory_space<vmem_shared>>
        %dma_start3A_46 = arith.constant 0 : i32
        %dma_start3A_47 = arith.constant 0 : i32
        %dma_start3A_48 = tpu.memref_slice %arg2[%arg0, %dma_start3A_46, %dma_start3A_47] : memref<2x10000x64xf32, #tpu.memory_space<hbm>> -> memref<1x10000x64xf32, #tpu.memory_space<hbm>>
        %dma_start3A_49 = tpu.memref_squeeze %dma_start3A_48 : memref<1x10000x64xf32, #tpu.memory_space<hbm>> -> memref<10000x64xf32, #tpu.memory_space<hbm>>
        %dma_start3A_50 = arith.constant 9600 : i32
        %dma_start3A_51 = arith.constant 0 : i32
        %dma_start3A_52 = tpu.memref_slice %dma_start3A_49[%dma_start3A_50, %dma_start3A_51] : memref<10000x64xf32, #tpu.memory_space<hbm>> -> memref<400x64xf32, #tpu.memory_space<hbm>>
        tpu.enqueue_dma source(%dma_start3A_52 : memref<400x64xf32, #tpu.memory_space<hbm>>) target(%dma_start3A_45 : memref<400x64xf32, #tpu.memory_space<vmem_shared>>) target_semaphore(%run_scoped3A : memref<!tpu.dma_semaphore, #tpu.memory_space<semaphore_mem>>)
        %dma_wait3A = arith.constant 0 : i32
        %dma_wait3A_53 = tpu.memref_slice %arg13[%mul3A_2, %dma_wait3A] : memref<10240x64xf32, #tpu.memory_space<vmem_shared>> -> memref<400x64xf32, #tpu.memory_space<vmem_shared>>
        %dma_wait3A_54 = arith.constant 0 : i32
        %dma_wait3A_55 = arith.constant 0 : i32
        %dma_wait3A_56 = tpu.memref_slice %arg2[%arg0, %dma_wait3A_54, %dma_wait3A_55] : memref<2x10000x64xf32, #tpu.memory_space<hbm>> -> memref<1x10000x64xf32, #tpu.memory_space<hbm>>
        %dma_wait3A_57 = tpu.memref_squeeze %dma_wait3A_56 : memref<1x10000x64xf32, #tpu.memory_space<hbm>> -> memref<10000x64xf32, #tpu.memory_space<hbm>>
        %dma_wait3A_58 = arith.constant 9600 : i32
        %dma_wait3A_59 = arith.constant 0 : i32
        %dma_wait3A_60 = tpu.memref_slice %dma_wait3A_57[%dma_wait3A_58, %dma_wait3A_59] : memref<10000x64xf32, #tpu.memory_space<hbm>> -> memref<400x64xf32, #tpu.memory_space<hbm>>
        tpu.wait_dma2 semaphore(%run_scoped3A : memref<!tpu.dma_semaphore, #tpu.memory_space<semaphore_mem>>) src(%dma_wait3A_60 : memref<400x64xf32, #tpu.memory_space<hbm>>) dst(%dma_wait3A_53 : memref<400x64xf32, #tpu.memory_space<vmem_shared>>)
        tpu.yield
      }) : () -> ()
      "tpu.region"() ({
        %run_scoped3A = tpu.sem_alloc : memref<!tpu.dma_semaphore, #tpu.memory_space<semaphore_mem>>
        %dma_start3A_44 = arith.constant 10000 : i32
        %dma_start3A_45 = arith.constant 0 : i32
        %dma_start3A_46 = tpu.memref_slice %arg13[%dma_start3A_44, %dma_start3A_45] : memref<10240x64xf32, #tpu.memory_space<vmem_shared>> -> memref<240x64xf32, #tpu.memory_space<vmem_shared>>
        %dma_start3A_47 = arith.constant 0 : i32
        %dma_start3A_48 = arith.constant 0 : i32
        %dma_start3A_49 = tpu.memref_slice %arg5[%dma_start3A_47, %dma_start3A_48] : memref<640x64xf32, #tpu.memory_space<hbm>> -> memref<240x64xf32, #tpu.memory_space<hbm>>
        tpu.enqueue_dma source(%dma_start3A_49 : memref<240x64xf32, #tpu.memory_space<hbm>>) target(%dma_start3A_46 : memref<240x64xf32, #tpu.memory_space<vmem_shared>>) target_semaphore(%run_scoped3A : memref<!tpu.dma_semaphore, #tpu.memory_space<semaphore_mem>>)
        %dma_wait3A = arith.constant 10000 : i32
        %dma_wait3A_50 = arith.constant 0 : i32
        %dma_wait3A_51 = tpu.memref_slice %arg13[%dma_wait3A, %dma_wait3A_50] : memref<10240x64xf32, #tpu.memory_space<vmem_shared>> -> memref<240x64xf32, #tpu.memory_space<vmem_shared>>
        %dma_wait3A_52 = arith.constant 0 : i32
        %dma_wait3A_53 = arith.constant 0 : i32
        %dma_wait3A_54 = tpu.memref_slice %arg5[%dma_wait3A_52, %dma_wait3A_53] : memref<640x64xf32, #tpu.memory_space<hbm>> -> memref<240x64xf32, #tpu.memory_space<hbm>>
        tpu.wait_dma2 semaphore(%run_scoped3A : memref<!tpu.dma_semaphore, #tpu.memory_space<semaphore_mem>>) src(%dma_wait3A_54 : memref<240x64xf32, #tpu.memory_space<hbm>>) dst(%dma_wait3A_51 : memref<240x64xf32, #tpu.memory_space<vmem_shared>>)
        tpu.yield
      }) : () -> ()
    } else {
    }
    %mul3A_12 = arith.constant 512 : i32
    %mul3A_13 = arith.muli %mul3A_0, %mul3A_12 : i32
    "tpu.region"() ({
      %run_scoped3A = tpu.sem_alloc : memref<!tpu.dma_semaphore, #tpu.memory_space<semaphore_mem>>
      %dma_start3A_44 = tpu.memref_slice %arg3[%mul3A_13] : memref<327680xi32, #tpu.memory_space<hbm>> -> memref<512xi32, #tpu.memory_space<hbm>>
      %dma_start3A_45 = tpu.memref_slice %arg3[%mul3A_13] : memref<327680xi32, #tpu.memory_space<hbm>> -> memref<512xi32, #tpu.memory_space<hbm>>
      tpu.enqueue_dma source(%dma_start3A_45 : memref<512xi32, #tpu.memory_space<hbm>>) target(%arg7 : memref<512xi32, #tpu.memory_space<vmem>>) target_semaphore(%run_scoped3A : memref<!tpu.dma_semaphore, #tpu.memory_space<semaphore_mem>>)
      %dma_wait3A = tpu.memref_slice %arg3[%mul3A_13] : memref<327680xi32, #tpu.memory_space<hbm>> -> memref<512xi32, #tpu.memory_space<hbm>>
      %dma_wait3A_46 = tpu.memref_slice %arg3[%mul3A_13] : memref<327680xi32, #tpu.memory_space<hbm>> -> memref<512xi32, #tpu.memory_space<hbm>>
      tpu.wait_dma2 semaphore(%run_scoped3A : memref<!tpu.dma_semaphore, #tpu.memory_space<semaphore_mem>>) src(%dma_wait3A_46 : memref<512xi32, #tpu.memory_space<hbm>>) dst(%arg7 : memref<512xi32, #tpu.memory_space<vmem>>)
      tpu.yield
    }) : () -> ()
    %mul3A_14 = arith.constant 512 : i32
    %mul3A_15 = arith.muli %mul3A_0, %mul3A_14 : i32
    "tpu.region"() ({
      %run_scoped3A = tpu.sem_alloc : memref<!tpu.dma_semaphore, #tpu.memory_space<semaphore_mem>>
      %dma_start3A_44 = tpu.memref_slice %arg4[%mul3A_15] : memref<327680xi32, #tpu.memory_space<hbm>> -> memref<512xi32, #tpu.memory_space<hbm>>
      %dma_start3A_45 = tpu.memref_slice %arg4[%mul3A_15] : memref<327680xi32, #tpu.memory_space<hbm>> -> memref<512xi32, #tpu.memory_space<hbm>>
      tpu.enqueue_dma source(%dma_start3A_45 : memref<512xi32, #tpu.memory_space<hbm>>) target(%arg8 : memref<512xi32, #tpu.memory_space<vmem>>) target_semaphore(%run_scoped3A : memref<!tpu.dma_semaphore, #tpu.memory_space<semaphore_mem>>)
      %dma_wait3A = tpu.memref_slice %arg4[%mul3A_15] : memref<327680xi32, #tpu.memory_space<hbm>> -> memref<512xi32, #tpu.memory_space<hbm>>
      %dma_wait3A_46 = tpu.memref_slice %arg4[%mul3A_15] : memref<327680xi32, #tpu.memory_space<hbm>> -> memref<512xi32, #tpu.memory_space<hbm>>
      tpu.wait_dma2 semaphore(%run_scoped3A : memref<!tpu.dma_semaphore, #tpu.memory_space<semaphore_mem>>) src(%dma_wait3A_46 : memref<512xi32, #tpu.memory_space<hbm>>) dst(%arg8 : memref<512xi32, #tpu.memory_space<vmem>>)
      tpu.yield
    }) : () -> ()
    %barrier3A = arith.constant 0 : index
    tpu.barrier barrier_id(%barrier3A)
    %dma_start3A = arith.constant 0 : i32
    %dma_start3A_16 = arith.constant 0 : i32
    %dma_start3A_17 = tpu.memref_slice %arg2[%arg0, %dma_start3A, %dma_start3A_16] : memref<2x10000x64xf32, #tpu.memory_space<hbm>> -> memref<1x10000x64xf32, #tpu.memory_space<hbm>>
    %dma_start3A_18 = tpu.memref_squeeze %dma_start3A_17 : memref<1x10000x64xf32, #tpu.memory_space<hbm>> -> memref<10000x64xf32, #tpu.memory_space<hbm>>
    %dma_start3A_19 = arith.constant 0 : i32
    %dma_start3A_20 = arith.constant 0 : i32
    %dma_start3A_21 = tpu.memref_slice %dma_start3A_18[%dma_start3A_19, %dma_start3A_20] : memref<10000x64xf32, #tpu.memory_space<hbm>> -> memref<10000x64xf32, #tpu.memory_space<hbm>>
    tpu.enqueue_indirect_dma source(%dma_start3A_21 : memref<10000x64xf32, #tpu.memory_space<hbm>>) target(%arg11 : memref<512x64xf32, #tpu.memory_space<vmem>>) offsets(%arg7 : memref<512xi32, #tpu.memory_space<vmem>>) semaphore(%arg14 : memref<!tpu.dma_semaphore, #tpu.memory_space<semaphore_mem>>)
    %add3A_22 = arith.constant 1 : i32
    %add3A_23 = arith.addi %mul3A_0, %add3A_22 : i32
    %mul3A_24 = arith.constant 512 : i32
    %mul3A_25 = arith.muli %add3A_23, %mul3A_24 : i32
    %dma_start3A_26 = tpu.memref_slice %arg3[%mul3A_25] : memref<327680xi32, #tpu.memory_space<hbm>> -> memref<512xi32, #tpu.memory_space<hbm>>
    %dma_start3A_27 = tpu.memref_slice %arg3[%mul3A_25] : memref<327680xi32, #tpu.memory_space<hbm>> -> memref<512xi32, #tpu.memory_space<hbm>>
    tpu.enqueue_dma source(%dma_start3A_27 : memref<512xi32, #tpu.memory_space<hbm>>) target(%arg9 : memref<512xi32, #tpu.memory_space<vmem>>) target_semaphore(%arg18 : memref<!tpu.dma_semaphore, #tpu.memory_space<semaphore_mem>>)
    %add3A_28 = arith.constant 1 : i32
    %add3A_29 = arith.addi %mul3A_0, %add3A_28 : i32
    %mul3A_30 = arith.constant 512 : i32
    %mul3A_31 = arith.muli %add3A_29, %mul3A_30 : i32
    %dma_start3A_32 = tpu.memref_slice %arg4[%mul3A_31] : memref<327680xi32, #tpu.memory_space<hbm>> -> memref<512xi32, #tpu.memory_space<hbm>>
    %dma_start3A_33 = tpu.memref_slice %arg4[%mul3A_31] : memref<327680xi32, #tpu.memory_space<hbm>> -> memref<512xi32, #tpu.memory_space<hbm>>
    tpu.enqueue_dma source(%dma_start3A_33 : memref<512xi32, #tpu.memory_space<hbm>>) target(%arg10 : memref<512xi32, #tpu.memory_space<vmem>>) target_semaphore(%arg19 : memref<!tpu.dma_semaphore, #tpu.memory_space<semaphore_mem>>)
    %scan3A = arith.constant 0 : i32
    %scan3A_34 = arith.constant 0 : i32
    %scan3A_35 = arith.constant 20 : i32
    %scan3A_36 = arith.addi %scan3A_34, %scan3A_35 : i32
    %scan3A_37 = arith.constant 1 : i32
    scf.for %scan3A_44 = %scan3A_34 to %scan3A_36 step %scan3A_37  : i32 {
      %mul3A_45 = arith.constant 2 : i32
      %mul3A_46 = arith.muli %mul3A_45, %scan3A_44 : i32
      %add3A_47 = arith.constant 1 : i32
      %add3A_48 = arith.addi %mul3A_46, %add3A_47 : i32
      %dma_wait3A = arith.constant 0 : i32
      %dma_wait3A_49 = arith.constant 0 : i32
      %dma_wait3A_50 = tpu.memref_slice %arg2[%arg0, %dma_wait3A, %dma_wait3A_49] : memref<2x10000x64xf32, #tpu.memory_space<hbm>> -> memref<1x10000x64xf32, #tpu.memory_space<hbm>>
      %dma_wait3A_51 = tpu.memref_squeeze %dma_wait3A_50 : memref<1x10000x64xf32, #tpu.memory_space<hbm>> -> memref<10000x64xf32, #tpu.memory_space<hbm>>
      %dma_wait3A_52 = arith.constant 0 : i32
      %dma_wait3A_53 = arith.constant 0 : i32
      %dma_wait3A_54 = tpu.memref_slice %dma_wait3A_51[%dma_wait3A_52, %dma_wait3A_53] : memref<10000x64xf32, #tpu.memory_space<hbm>> -> memref<10000x64xf32, #tpu.memory_space<hbm>>
      tpu.wait_indirect_dma semaphore(%arg14 : memref<!tpu.dma_semaphore, #tpu.memory_space<semaphore_mem>>) src(%dma_wait3A_54 : memref<10000x64xf32, #tpu.memory_space<hbm>>) dst(%arg11 : memref<512x64xf32, #tpu.memory_space<vmem>>)
      %dma_wait3A_55 = arith.constant 0 : i32
      %dma_wait3A_56 = tpu.memref_slice %arg3[%dma_wait3A_55] : memref<327680xi32, #tpu.memory_space<hbm>> -> memref<512xi32, #tpu.memory_space<hbm>>
      %dma_wait3A_57 = arith.constant 0 : i32
      %dma_wait3A_58 = tpu.memref_slice %arg3[%dma_wait3A_57] : memref<327680xi32, #tpu.memory_space<hbm>> -> memref<512xi32, #tpu.memory_space<hbm>>
      tpu.wait_dma2 semaphore(%arg18 : memref<!tpu.dma_semaphore, #tpu.memory_space<semaphore_mem>>) src(%dma_wait3A_58 : memref<512xi32, #tpu.memory_space<hbm>>) dst(%arg9 : memref<512xi32, #tpu.memory_space<vmem>>)
      %dma_wait3A_59 = arith.constant 0 : i32
      %dma_wait3A_60 = tpu.memref_slice %arg4[%dma_wait3A_59] : memref<327680xi32, #tpu.memory_space<hbm>> -> memref<512xi32, #tpu.memory_space<hbm>>
      %dma_wait3A_61 = arith.constant 0 : i32
      %dma_wait3A_62 = tpu.memref_slice %arg4[%dma_wait3A_61] : memref<327680xi32, #tpu.memory_space<hbm>> -> memref<512xi32, #tpu.memory_space<hbm>>
      tpu.wait_dma2 semaphore(%arg19 : memref<!tpu.dma_semaphore, #tpu.memory_space<semaphore_mem>>) src(%dma_wait3A_62 : memref<512xi32, #tpu.memory_space<hbm>>) dst(%arg10 : memref<512xi32, #tpu.memory_space<vmem>>)
      %dma_start3A_63 = arith.constant 0 : i32
      %dma_start3A_64 = arith.constant 0 : i32
      %dma_start3A_65 = tpu.memref_slice %arg2[%arg0, %dma_start3A_63, %dma_start3A_64] : memref<2x10000x64xf32, #tpu.memory_space<hbm>> -> memref<1x10000x64xf32, #tpu.memory_space<hbm>>
      %dma_start3A_66 = tpu.memref_squeeze %dma_start3A_65 : memref<1x10000x64xf32, #tpu.memory_space<hbm>> -> memref<10000x64xf32, #tpu.memory_space<hbm>>
      %dma_start3A_67 = arith.constant 0 : i32
      %dma_start3A_68 = arith.constant 0 : i32
      %dma_start3A_69 = tpu.memref_slice %dma_start3A_66[%dma_start3A_67, %dma_start3A_68] : memref<10000x64xf32, #tpu.memory_space<hbm>> -> memref<10000x64xf32, #tpu.memory_space<hbm>>
      tpu.enqueue_indirect_dma source(%dma_start3A_69 : memref<10000x64xf32, #tpu.memory_space<hbm>>) target(%arg12 : memref<512x64xf32, #tpu.memory_space<vmem>>) offsets(%arg9 : memref<512xi32, #tpu.memory_space<vmem>>) semaphore(%arg15 : memref<!tpu.dma_semaphore, #tpu.memory_space<semaphore_mem>>)
      "tpu.region"() ({
        %run_scoped3A = tpu.sem_alloc : memref<!tpu.dma_semaphore, #tpu.memory_space<semaphore_mem>>
        %dma_start3A_97 = arith.constant 0 : i32
        %dma_start3A_98 = arith.constant 0 : i32
        %dma_start3A_99 = tpu.memref_slice %arg13[%dma_start3A_97, %dma_start3A_98] : memref<10240x64xf32, #tpu.memory_space<vmem_shared>> -> memref<10240x64xf32, #tpu.memory_space<vmem_shared>>
        tpu.enqueue_indirect_dma source(%arg11 : memref<512x64xf32, #tpu.memory_space<vmem>>) target(%dma_start3A_99 : memref<10240x64xf32, #tpu.memory_space<vmem_shared>>) offsets(%arg8 : memref<512xi32, #tpu.memory_space<vmem>>) semaphore(%run_scoped3A : memref<!tpu.dma_semaphore, #tpu.memory_space<semaphore_mem>>) {add = true}
        %dma_wait3A_100 = arith.constant 0 : i32
        %dma_wait3A_101 = arith.constant 0 : i32
        %dma_wait3A_102 = tpu.memref_slice %arg13[%dma_wait3A_100, %dma_wait3A_101] : memref<10240x64xf32, #tpu.memory_space<vmem_shared>> -> memref<10240x64xf32, #tpu.memory_space<vmem_shared>>
        tpu.wait_indirect_dma semaphore(%run_scoped3A : memref<!tpu.dma_semaphore, #tpu.memory_space<semaphore_mem>>) src(%arg11 : memref<512x64xf32, #tpu.memory_space<vmem>>) dst(%dma_wait3A_102 : memref<10240x64xf32, #tpu.memory_space<vmem_shared>>)
        tpu.yield
      }) : () -> ()
      %add3A_70 = arith.constant 2 : i32
      %add3A_71 = arith.addi %mul3A_46, %add3A_70 : i32
      %lt3A = arith.constant 40 : i32
      %lt3A_72 = arith.cmpi slt, %add3A_71, %lt3A : i32
      %convert_element_type3A_73 = arith.extui %lt3A_72 : i1 to i32
      %cond3A_74 = arith.constant 0 : i32
      %cond3A_75 = arith.cmpi ne, %convert_element_type3A_73, %cond3A_74 : i32
      scf.if %cond3A_75 {
        %add3A_97 = arith.addi %mul3A_0, %mul3A_46 : i32
        %add3A_98 = arith.constant 2 : i32
        %add3A_99 = arith.addi %add3A_97, %add3A_98 : i32
        %mul3A_100 = arith.constant 512 : i32
        %mul3A_101 = arith.muli %add3A_99, %mul3A_100 : i32
        %dma_start3A_102 = tpu.memref_slice %arg3[%mul3A_101] : memref<327680xi32, #tpu.memory_space<hbm>> -> memref<512xi32, #tpu.memory_space<hbm>>
        %dma_start3A_103 = tpu.memref_slice %arg3[%mul3A_101] : memref<327680xi32, #tpu.memory_space<hbm>> -> memref<512xi32, #tpu.memory_space<hbm>>
        tpu.enqueue_dma source(%dma_start3A_103 : memref<512xi32, #tpu.memory_space<hbm>>) target(%arg7 : memref<512xi32, #tpu.memory_space<vmem>>) target_semaphore(%arg16 : memref<!tpu.dma_semaphore, #tpu.memory_space<semaphore_mem>>)
        %add3A_104 = arith.addi %mul3A_0, %mul3A_46 : i32
        %add3A_105 = arith.constant 2 : i32
        %add3A_106 = arith.addi %add3A_104, %add3A_105 : i32
        %mul3A_107 = arith.constant 512 : i32
        %mul3A_108 = arith.muli %add3A_106, %mul3A_107 : i32
        %dma_start3A_109 = tpu.memref_slice %arg4[%mul3A_108] : memref<327680xi32, #tpu.memory_space<hbm>> -> memref<512xi32, #tpu.memory_space<hbm>>
        %dma_start3A_110 = tpu.memref_slice %arg4[%mul3A_108] : memref<327680xi32, #tpu.memory_space<hbm>> -> memref<512xi32, #tpu.memory_space<hbm>>
        tpu.enqueue_dma source(%dma_start3A_110 : memref<512xi32, #tpu.memory_space<hbm>>) target(%arg8 : memref<512xi32, #tpu.memory_space<vmem>>) target_semaphore(%arg17 : memref<!tpu.dma_semaphore, #tpu.memory_space<semaphore_mem>>)
      } else {
      }
      %dma_wait3A_76 = arith.constant 0 : i32
      %dma_wait3A_77 = arith.constant 0 : i32
      %dma_wait3A_78 = tpu.memref_slice %arg2[%arg0, %dma_wait3A_76, %dma_wait3A_77] : memref<2x10000x64xf32, #tpu.memory_space<hbm>> -> memref<1x10000x64xf32, #tpu.memory_space<hbm>>
      %dma_wait3A_79 = tpu.memref_squeeze %dma_wait3A_78 : memref<1x10000x64xf32, #tpu.memory_space<hbm>> -> memref<10000x64xf32, #tpu.memory_space<hbm>>
      %dma_wait3A_80 = arith.constant 0 : i32
      %dma_wait3A_81 = arith.constant 0 : i32
      %dma_wait3A_82 = tpu.memref_slice %dma_wait3A_79[%dma_wait3A_80, %dma_wait3A_81] : memref<10000x64xf32, #tpu.memory_space<hbm>> -> memref<10000x64xf32, #tpu.memory_space<hbm>>
      tpu.wait_indirect_dma semaphore(%arg15 : memref<!tpu.dma_semaphore, #tpu.memory_space<semaphore_mem>>) src(%dma_wait3A_82 : memref<10000x64xf32, #tpu.memory_space<hbm>>) dst(%arg12 : memref<512x64xf32, #tpu.memory_space<vmem>>)
      %add3A_83 = arith.constant 2 : i32
      %add3A_84 = arith.addi %mul3A_46, %add3A_83 : i32
      %lt3A_85 = arith.constant 40 : i32
      %lt3A_86 = arith.cmpi slt, %add3A_84, %lt3A_85 : i32
      %convert_element_type3A_87 = arith.extui %lt3A_86 : i1 to i32
      %cond3A_88 = arith.constant 0 : i32
      %cond3A_89 = arith.cmpi ne, %convert_element_type3A_87, %cond3A_88 : i32
      scf.if %cond3A_89 {
        %dma_wait3A_97 = arith.constant 0 : i32
        %dma_wait3A_98 = tpu.memref_slice %arg3[%dma_wait3A_97] : memref<327680xi32, #tpu.memory_space<hbm>> -> memref<512xi32, #tpu.memory_space<hbm>>
        %dma_wait3A_99 = arith.constant 0 : i32
        %dma_wait3A_100 = tpu.memref_slice %arg3[%dma_wait3A_99] : memref<327680xi32, #tpu.memory_space<hbm>> -> memref<512xi32, #tpu.memory_space<hbm>>
        tpu.wait_dma2 semaphore(%arg16 : memref<!tpu.dma_semaphore, #tpu.memory_space<semaphore_mem>>) src(%dma_wait3A_100 : memref<512xi32, #tpu.memory_space<hbm>>) dst(%arg7 : memref<512xi32, #tpu.memory_space<vmem>>)
        %dma_wait3A_101 = arith.constant 0 : i32
        %dma_wait3A_102 = tpu.memref_slice %arg4[%dma_wait3A_101] : memref<327680xi32, #tpu.memory_space<hbm>> -> memref<512xi32, #tpu.memory_space<hbm>>
        %dma_wait3A_103 = arith.constant 0 : i32
        %dma_wait3A_104 = tpu.memref_slice %arg4[%dma_wait3A_103] : memref<327680xi32, #tpu.memory_space<hbm>> -> memref<512xi32, #tpu.memory_space<hbm>>
        tpu.wait_dma2 semaphore(%arg17 : memref<!tpu.dma_semaphore, #tpu.memory_space<semaphore_mem>>) src(%dma_wait3A_104 : memref<512xi32, #tpu.memory_space<hbm>>) dst(%arg8 : memref<512xi32, #tpu.memory_space<vmem>>)
        %dma_start3A_105 = arith.constant 0 : i32
        %dma_start3A_106 = arith.constant 0 : i32
        %dma_start3A_107 = tpu.memref_slice %arg2[%arg0, %dma_start3A_105, %dma_start3A_106] : memref<2x10000x64xf32, #tpu.memory_space<hbm>> -> memref<1x10000x64xf32, #tpu.memory_space<hbm>>
        %dma_start3A_108 = tpu.memref_squeeze %dma_start3A_107 : memref<1x10000x64xf32, #tpu.memory_space<hbm>> -> memref<10000x64xf32, #tpu.memory_space<hbm>>
        %dma_start3A_109 = arith.constant 0 : i32
        %dma_start3A_110 = arith.constant 0 : i32
        %dma_start3A_111 = tpu.memref_slice %dma_start3A_108[%dma_start3A_109, %dma_start3A_110] : memref<10000x64xf32, #tpu.memory_space<hbm>> -> memref<10000x64xf32, #tpu.memory_space<hbm>>
        tpu.enqueue_indirect_dma source(%dma_start3A_111 : memref<10000x64xf32, #tpu.memory_space<hbm>>) target(%arg11 : memref<512x64xf32, #tpu.memory_space<vmem>>) offsets(%arg7 : memref<512xi32, #tpu.memory_space<vmem>>) semaphore(%arg14 : memref<!tpu.dma_semaphore, #tpu.memory_space<semaphore_mem>>)
      } else {
      }
      "tpu.region"() ({
        %run_scoped3A = tpu.sem_alloc : memref<!tpu.dma_semaphore, #tpu.memory_space<semaphore_mem>>
        %dma_start3A_97 = arith.constant 0 : i32
        %dma_start3A_98 = arith.constant 0 : i32
        %dma_start3A_99 = tpu.memref_slice %arg13[%dma_start3A_97, %dma_start3A_98] : memref<10240x64xf32, #tpu.memory_space<vmem_shared>> -> memref<10240x64xf32, #tpu.memory_space<vmem_shared>>
        tpu.enqueue_indirect_dma source(%arg12 : memref<512x64xf32, #tpu.memory_space<vmem>>) target(%dma_start3A_99 : memref<10240x64xf32, #tpu.memory_space<vmem_shared>>) offsets(%arg10 : memref<512xi32, #tpu.memory_space<vmem>>) semaphore(%run_scoped3A : memref<!tpu.dma_semaphore, #tpu.memory_space<semaphore_mem>>) {add = true}
        %dma_wait3A_100 = arith.constant 0 : i32
        %dma_wait3A_101 = arith.constant 0 : i32
        %dma_wait3A_102 = tpu.memref_slice %arg13[%dma_wait3A_100, %dma_wait3A_101] : memref<10240x64xf32, #tpu.memory_space<vmem_shared>> -> memref<10240x64xf32, #tpu.memory_space<vmem_shared>>
        tpu.wait_indirect_dma semaphore(%run_scoped3A : memref<!tpu.dma_semaphore, #tpu.memory_space<semaphore_mem>>) src(%arg12 : memref<512x64xf32, #tpu.memory_space<vmem>>) dst(%dma_wait3A_102 : memref<10240x64xf32, #tpu.memory_space<vmem_shared>>)
        tpu.yield
      }) : () -> ()
      %add3A_90 = arith.constant 2 : i32
      %add3A_91 = arith.addi %add3A_48, %add3A_90 : i32
      %lt3A_92 = arith.constant 40 : i32
      %lt3A_93 = arith.cmpi slt, %add3A_91, %lt3A_92 : i32
      %convert_element_type3A_94 = arith.extui %lt3A_93 : i1 to i32
      %cond3A_95 = arith.constant 0 : i32
      %cond3A_96 = arith.cmpi ne, %convert_element_type3A_94, %cond3A_95 : i32
      scf.if %cond3A_96 {
        %add3A_97 = arith.addi %mul3A_0, %add3A_48 : i32
        %add3A_98 = arith.constant 2 : i32
        %add3A_99 = arith.addi %add3A_97, %add3A_98 : i32
        %mul3A_100 = arith.constant 512 : i32
        %mul3A_101 = arith.muli %add3A_99, %mul3A_100 : i32
        %dma_start3A_102 = tpu.memref_slice %arg3[%mul3A_101] : memref<327680xi32, #tpu.memory_space<hbm>> -> memref<512xi32, #tpu.memory_space<hbm>>
        %dma_start3A_103 = tpu.memref_slice %arg3[%mul3A_101] : memref<327680xi32, #tpu.memory_space<hbm>> -> memref<512xi32, #tpu.memory_space<hbm>>
        tpu.enqueue_dma source(%dma_start3A_103 : memref<512xi32, #tpu.memory_space<hbm>>) target(%arg9 : memref<512xi32, #tpu.memory_space<vmem>>) target_semaphore(%arg18 : memref<!tpu.dma_semaphore, #tpu.memory_space<semaphore_mem>>)
        %add3A_104 = arith.addi %mul3A_0, %add3A_48 : i32
        %add3A_105 = arith.constant 2 : i32
        %add3A_106 = arith.addi %add3A_104, %add3A_105 : i32
        %mul3A_107 = arith.constant 512 : i32
        %mul3A_108 = arith.muli %add3A_106, %mul3A_107 : i32
        %dma_start3A_109 = tpu.memref_slice %arg4[%mul3A_108] : memref<327680xi32, #tpu.memory_space<hbm>> -> memref<512xi32, #tpu.memory_space<hbm>>
        %dma_start3A_110 = tpu.memref_slice %arg4[%mul3A_108] : memref<327680xi32, #tpu.memory_space<hbm>> -> memref<512xi32, #tpu.memory_space<hbm>>
        tpu.enqueue_dma source(%dma_start3A_110 : memref<512xi32, #tpu.memory_space<hbm>>) target(%arg10 : memref<512xi32, #tpu.memory_space<vmem>>) target_semaphore(%arg19 : memref<!tpu.dma_semaphore, #tpu.memory_space<semaphore_mem>>)
      } else {
      }
    }
    %scan3A_38 = arith.constant 20 : i32
    %barrier3A_39 = arith.constant 0 : index
    tpu.barrier barrier_id(%barrier3A_39)
    %mul3A_40 = arith.constant 625 : i32
    %mul3A_41 = arith.muli %arg1, %mul3A_40 : i32
    %mul3A_42 = arith.constant 625 : i32
    %mul3A_43 = arith.muli %arg1, %mul3A_42 : i32
    "tpu.region"() ({
      %run_scoped3A = tpu.sem_alloc : memref<!tpu.dma_semaphore, #tpu.memory_space<semaphore_mem>>
      %dma_start3A_44 = arith.constant 0 : i32
      %dma_start3A_45 = arith.constant 0 : i32
      %dma_start3A_46 = tpu.memref_slice %arg6[%arg0, %dma_start3A_44, %dma_start3A_45] : memref<2x10000x64xf32, #tpu.memory_space<hbm>> -> memref<1x10000x64xf32, #tpu.memory_space<hbm>>
      %dma_start3A_47 = tpu.memref_squeeze %dma_start3A_46 : memref<1x10000x64xf32, #tpu.memory_space<hbm>> -> memref<10000x64xf32, #tpu.memory_space<hbm>>
      %dma_start3A_48 = arith.constant 0 : i32
      %dma_start3A_49 = tpu.memref_slice %dma_start3A_47[%mul3A_43, %dma_start3A_48] : memref<10000x64xf32, #tpu.memory_space<hbm>> -> memref<625x64xf32, #tpu.memory_space<hbm>>
      %dma_start3A_50 = arith.constant 0 : i32
      %dma_start3A_51 = tpu.memref_slice %arg13[%mul3A_41, %dma_start3A_50] : memref<10240x64xf32, #tpu.memory_space<vmem_shared>> -> memref<625x64xf32, #tpu.memory_space<vmem_shared>>
      tpu.enqueue_dma source(%dma_start3A_51 : memref<625x64xf32, #tpu.memory_space<vmem_shared>>) target(%dma_start3A_49 : memref<625x64xf32, #tpu.memory_space<hbm>>) target_semaphore(%run_scoped3A : memref<!tpu.dma_semaphore, #tpu.memory_space<semaphore_mem>>)
      %dma_wait3A = arith.constant 0 : i32
      %dma_wait3A_52 = arith.constant 0 : i32
      %dma_wait3A_53 = tpu.memref_slice %arg6[%arg0, %dma_wait3A, %dma_wait3A_52] : memref<2x10000x64xf32, #tpu.memory_space<hbm>> -> memref<1x10000x64xf32, #tpu.memory_space<hbm>>
      %dma_wait3A_54 = tpu.memref_squeeze %dma_wait3A_53 : memref<1x10000x64xf32, #tpu.memory_space<hbm>> -> memref<10000x64xf32, #tpu.memory_space<hbm>>
      %dma_wait3A_55 = arith.constant 0 : i32
      %dma_wait3A_56 = tpu.memref_slice %dma_wait3A_54[%mul3A_43, %dma_wait3A_55] : memref<10000x64xf32, #tpu.memory_space<hbm>> -> memref<625x64xf32, #tpu.memory_space<hbm>>
      %dma_wait3A_57 = arith.constant 0 : i32
      %dma_wait3A_58 = tpu.memref_slice %arg13[%mul3A_41, %dma_wait3A_57] : memref<10240x64xf32, #tpu.memory_space<vmem_shared>> -> memref<625x64xf32, #tpu.memory_space<vmem_shared>>
      tpu.wait_dma2 semaphore(%run_scoped3A : memref<!tpu.dma_semaphore, #tpu.memory_space<semaphore_mem>>) src(%dma_wait3A_58 : memref<625x64xf32, #tpu.memory_space<vmem_shared>>) dst(%dma_wait3A_56 : memref<625x64xf32, #tpu.memory_space<hbm>>)
      tpu.yield
    }) : () -> ()
    return
  }
}

#map = affine_map<(d0, d1) -> (0, 0)>
#map1 = affine_map<(d0, d1) -> (0)>
#map2 = affine_map<(d0, d1) -> (0, 0, 0)>
module attributes {stable_mosaic.version = 14 : i64} {
  func.func @_agg_body(%arg0: i32, %arg1: i32, %arg2: memref<10000x64xf32, #tpu.memory_space<hbm>>, %arg3: memref<327680xi32, #tpu.memory_space<hbm>>, %arg4: memref<327680xi32, #tpu.memory_space<hbm>>, %arg5: memref<640x64xf32, #tpu.memory_space<hbm>>, %arg6: memref<2x10000x64xf32, #tpu.memory_space<hbm>>, %arg7: memref<512xi32, #tpu.memory_space<vmem>>, %arg8: memref<512xi32, #tpu.memory_space<vmem>>, %arg9: memref<512xi32, #tpu.memory_space<vmem>>, %arg10: memref<512xi32, #tpu.memory_space<vmem>>, %arg11: memref<512x64xf32, #tpu.memory_space<vmem>>, %arg12: memref<512x64xf32, #tpu.memory_space<vmem>>, %arg13: memref<10240x64xf32, #tpu.memory_space<vmem_shared>>, %arg14: memref<!tpu.dma_semaphore, #tpu.memory_space<semaphore_mem>>, %arg15: memref<!tpu.dma_semaphore, #tpu.memory_space<semaphore_mem>>, %arg16: memref<!tpu.dma_semaphore, #tpu.memory_space<semaphore_mem>>, %arg17: memref<!tpu.dma_semaphore, #tpu.memory_space<semaphore_mem>>, %arg18: memref<!tpu.dma_semaphore, #tpu.memory_space<semaphore_mem>>, %arg19: memref<!tpu.dma_semaphore, #tpu.memory_space<semaphore_mem>>) attributes {dimension_semantics = [#tpu.dimension_semantics<core_parallel>, #tpu.dimension_semantics<subcore_parallel>], iteration_bounds = array<i64: 2, 16>, scalar_prefetch = 0 : i64, scratch_operands = 13 : i64, tpu.core_type = #tpu.core_type<sc_vector_subcore>, window_params = [{transform_indices = #map}, {transform_indices = #map1}, {transform_indices = #map1}, {transform_indices = #map}, {transform_indices = #map2}]} {
    %mul3A = arith.constant 16 : i32
    %mul3A_0 = arith.muli %arg0, %mul3A : i32
    %add3A = arith.addi %mul3A_0, %arg1 : i32
    %mul3A_1 = arith.constant 20 : i32
    %mul3A_2 = arith.muli %add3A, %mul3A_1 : i32
    %mul3A_3 = arith.constant 640 : i32
    %mul3A_4 = arith.muli %arg1, %mul3A_3 : i32
    %eq3A = arith.constant 0 : i32
    %eq3A_5 = arith.cmpi eq, %arg0, %eq3A : i32
    %convert_element_type3A = arith.extui %eq3A_5 : i1 to i32
    %cond3A = arith.constant 0 : i32
    %cond3A_6 = arith.cmpi ne, %convert_element_type3A, %cond3A : i32
    scf.if %cond3A_6 {
      %add3A_39 = arith.constant 640 : i32
      %add3A_40 = arith.addi %mul3A_4, %add3A_39 : i32
      %le3A = arith.constant 10000 : i32
      %le3A_41 = arith.cmpi sle, %add3A_40, %le3A : i32
      %convert_element_type3A_42 = arith.extui %le3A_41 : i1 to i32
      %cond3A_43 = arith.constant 0 : i32
      %cond3A_44 = arith.cmpi ne, %convert_element_type3A_42, %cond3A_43 : i32
      scf.if %cond3A_44 {
        "tpu.region"() ({
          %run_scoped3A = tpu.sem_alloc : memref<!tpu.dma_semaphore, #tpu.memory_space<semaphore_mem>>
          %dma_start3A_51 = arith.constant 0 : i32
          %dma_start3A_52 = tpu.memref_slice %arg13[%mul3A_4, %dma_start3A_51] : memref<10240x64xf32, #tpu.memory_space<vmem_shared>> -> memref<640x64xf32, #tpu.memory_space<vmem_shared>>
          %dma_start3A_53 = arith.constant 0 : i32
          %dma_start3A_54 = tpu.memref_slice %arg2[%mul3A_4, %dma_start3A_53] : memref<10000x64xf32, #tpu.memory_space<hbm>> -> memref<640x64xf32, #tpu.memory_space<hbm>>
          tpu.enqueue_dma source(%dma_start3A_54 : memref<640x64xf32, #tpu.memory_space<hbm>>) target(%dma_start3A_52 : memref<640x64xf32, #tpu.memory_space<vmem_shared>>) target_semaphore(%run_scoped3A : memref<!tpu.dma_semaphore, #tpu.memory_space<semaphore_mem>>)
          %dma_wait3A = arith.constant 0 : i32
          %dma_wait3A_55 = tpu.memref_slice %arg13[%mul3A_4, %dma_wait3A] : memref<10240x64xf32, #tpu.memory_space<vmem_shared>> -> memref<640x64xf32, #tpu.memory_space<vmem_shared>>
          %dma_wait3A_56 = arith.constant 0 : i32
          %dma_wait3A_57 = tpu.memref_slice %arg2[%mul3A_4, %dma_wait3A_56] : memref<10000x64xf32, #tpu.memory_space<hbm>> -> memref<640x64xf32, #tpu.memory_space<hbm>>
          tpu.wait_dma2 semaphore(%run_scoped3A : memref<!tpu.dma_semaphore, #tpu.memory_space<semaphore_mem>>) src(%dma_wait3A_57 : memref<640x64xf32, #tpu.memory_space<hbm>>) dst(%dma_wait3A_55 : memref<640x64xf32, #tpu.memory_space<vmem_shared>>)
          tpu.yield
        }) : () -> ()
      } else {
      }
      %add3A_45 = arith.constant 640 : i32
      %add3A_46 = arith.addi %mul3A_4, %add3A_45 : i32
      %gt3A = arith.constant 10000 : i32
      %gt3A_47 = arith.cmpi sgt, %add3A_46, %gt3A : i32
      %convert_element_type3A_48 = arith.extui %gt3A_47 : i1 to i32
      %cond3A_49 = arith.constant 0 : i32
      %cond3A_50 = arith.cmpi ne, %convert_element_type3A_48, %cond3A_49 : i32
      scf.if %cond3A_50 {
        "tpu.region"() ({
          %run_scoped3A = tpu.sem_alloc : memref<!tpu.dma_semaphore, #tpu.memory_space<semaphore_mem>>
          %dma_start3A_51 = arith.constant 0 : i32
          %dma_start3A_52 = tpu.memref_slice %arg13[%mul3A_4, %dma_start3A_51] : memref<10240x64xf32, #tpu.memory_space<vmem_shared>> -> memref<400x64xf32, #tpu.memory_space<vmem_shared>>
          %dma_start3A_53 = arith.constant 9600 : i32
          %dma_start3A_54 = arith.constant 0 : i32
          %dma_start3A_55 = tpu.memref_slice %arg2[%dma_start3A_53, %dma_start3A_54] : memref<10000x64xf32, #tpu.memory_space<hbm>> -> memref<400x64xf32, #tpu.memory_space<hbm>>
          tpu.enqueue_dma source(%dma_start3A_55 : memref<400x64xf32, #tpu.memory_space<hbm>>) target(%dma_start3A_52 : memref<400x64xf32, #tpu.memory_space<vmem_shared>>) target_semaphore(%run_scoped3A : memref<!tpu.dma_semaphore, #tpu.memory_space<semaphore_mem>>)
          %dma_wait3A = arith.constant 0 : i32
          %dma_wait3A_56 = tpu.memref_slice %arg13[%mul3A_4, %dma_wait3A] : memref<10240x64xf32, #tpu.memory_space<vmem_shared>> -> memref<400x64xf32, #tpu.memory_space<vmem_shared>>
          %dma_wait3A_57 = arith.constant 9600 : i32
          %dma_wait3A_58 = arith.constant 0 : i32
          %dma_wait3A_59 = tpu.memref_slice %arg2[%dma_wait3A_57, %dma_wait3A_58] : memref<10000x64xf32, #tpu.memory_space<hbm>> -> memref<400x64xf32, #tpu.memory_space<hbm>>
          tpu.wait_dma2 semaphore(%run_scoped3A : memref<!tpu.dma_semaphore, #tpu.memory_space<semaphore_mem>>) src(%dma_wait3A_59 : memref<400x64xf32, #tpu.memory_space<hbm>>) dst(%dma_wait3A_56 : memref<400x64xf32, #tpu.memory_space<vmem_shared>>)
          tpu.yield
        }) : () -> ()
        "tpu.region"() ({
          %run_scoped3A = tpu.sem_alloc : memref<!tpu.dma_semaphore, #tpu.memory_space<semaphore_mem>>
          %dma_start3A_51 = arith.constant 10000 : i32
          %dma_start3A_52 = arith.constant 0 : i32
          %dma_start3A_53 = tpu.memref_slice %arg13[%dma_start3A_51, %dma_start3A_52] : memref<10240x64xf32, #tpu.memory_space<vmem_shared>> -> memref<240x64xf32, #tpu.memory_space<vmem_shared>>
          %dma_start3A_54 = arith.constant 0 : i32
          %dma_start3A_55 = arith.constant 0 : i32
          %dma_start3A_56 = tpu.memref_slice %arg5[%dma_start3A_54, %dma_start3A_55] : memref<640x64xf32, #tpu.memory_space<hbm>> -> memref<240x64xf32, #tpu.memory_space<hbm>>
          tpu.enqueue_dma source(%dma_start3A_56 : memref<240x64xf32, #tpu.memory_space<hbm>>) target(%dma_start3A_53 : memref<240x64xf32, #tpu.memory_space<vmem_shared>>) target_semaphore(%run_scoped3A : memref<!tpu.dma_semaphore, #tpu.memory_space<semaphore_mem>>)
          %dma_wait3A = arith.constant 10000 : i32
          %dma_wait3A_57 = arith.constant 0 : i32
          %dma_wait3A_58 = tpu.memref_slice %arg13[%dma_wait3A, %dma_wait3A_57] : memref<10240x64xf32, #tpu.memory_space<vmem_shared>> -> memref<240x64xf32, #tpu.memory_space<vmem_shared>>
          %dma_wait3A_59 = arith.constant 0 : i32
          %dma_wait3A_60 = arith.constant 0 : i32
          %dma_wait3A_61 = tpu.memref_slice %arg5[%dma_wait3A_59, %dma_wait3A_60] : memref<640x64xf32, #tpu.memory_space<hbm>> -> memref<240x64xf32, #tpu.memory_space<hbm>>
          tpu.wait_dma2 semaphore(%run_scoped3A : memref<!tpu.dma_semaphore, #tpu.memory_space<semaphore_mem>>) src(%dma_wait3A_61 : memref<240x64xf32, #tpu.memory_space<hbm>>) dst(%dma_wait3A_58 : memref<240x64xf32, #tpu.memory_space<vmem_shared>>)
          tpu.yield
        }) : () -> ()
      } else {
      }
    } else {
    }
    %ne3A = arith.constant 0 : i32
    %ne3A_7 = arith.cmpi ne, %arg0, %ne3A : i32
    %convert_element_type3A_8 = arith.extui %ne3A_7 : i1 to i32
    %cond3A_9 = arith.constant 0 : i32
    %cond3A_10 = arith.cmpi ne, %convert_element_type3A_8, %cond3A_9 : i32
    scf.if %cond3A_10 {
      "tpu.region"() ({
        %run_scoped3A = tpu.sem_alloc : memref<!tpu.dma_semaphore, #tpu.memory_space<semaphore_mem>>
        %dma_start3A_39 = arith.constant 0 : i32
        %dma_start3A_40 = tpu.memref_slice %arg13[%mul3A_4, %dma_start3A_39] : memref<10240x64xf32, #tpu.memory_space<vmem_shared>> -> memref<640x64xf32, #tpu.memory_space<vmem_shared>>
        tpu.enqueue_dma source(%arg5 : memref<640x64xf32, #tpu.memory_space<hbm>>) target(%dma_start3A_40 : memref<640x64xf32, #tpu.memory_space<vmem_shared>>) target_semaphore(%run_scoped3A : memref<!tpu.dma_semaphore, #tpu.memory_space<semaphore_mem>>)
        %dma_wait3A = arith.constant 0 : i32
        %dma_wait3A_41 = tpu.memref_slice %arg13[%mul3A_4, %dma_wait3A] : memref<10240x64xf32, #tpu.memory_space<vmem_shared>> -> memref<640x64xf32, #tpu.memory_space<vmem_shared>>
        tpu.wait_dma2 semaphore(%run_scoped3A : memref<!tpu.dma_semaphore, #tpu.memory_space<semaphore_mem>>) src(%arg5 : memref<640x64xf32, #tpu.memory_space<hbm>>) dst(%dma_wait3A_41 : memref<640x64xf32, #tpu.memory_space<vmem_shared>>)
        tpu.yield
      }) : () -> ()
    } else {
    }
    %mul3A_11 = arith.constant 512 : i32
    %mul3A_12 = arith.muli %mul3A_2, %mul3A_11 : i32
    "tpu.region"() ({
      %run_scoped3A = tpu.sem_alloc : memref<!tpu.dma_semaphore, #tpu.memory_space<semaphore_mem>>
      %dma_start3A_39 = tpu.memref_slice %arg3[%mul3A_12] : memref<327680xi32, #tpu.memory_space<hbm>> -> memref<512xi32, #tpu.memory_space<hbm>>
      %dma_start3A_40 = tpu.memref_slice %arg3[%mul3A_12] : memref<327680xi32, #tpu.memory_space<hbm>> -> memref<512xi32, #tpu.memory_space<hbm>>
      tpu.enqueue_dma source(%dma_start3A_40 : memref<512xi32, #tpu.memory_space<hbm>>) target(%arg7 : memref<512xi32, #tpu.memory_space<vmem>>) target_semaphore(%run_scoped3A : memref<!tpu.dma_semaphore, #tpu.memory_space<semaphore_mem>>)
      %dma_wait3A = tpu.memref_slice %arg3[%mul3A_12] : memref<327680xi32, #tpu.memory_space<hbm>> -> memref<512xi32, #tpu.memory_space<hbm>>
      %dma_wait3A_41 = tpu.memref_slice %arg3[%mul3A_12] : memref<327680xi32, #tpu.memory_space<hbm>> -> memref<512xi32, #tpu.memory_space<hbm>>
      tpu.wait_dma2 semaphore(%run_scoped3A : memref<!tpu.dma_semaphore, #tpu.memory_space<semaphore_mem>>) src(%dma_wait3A_41 : memref<512xi32, #tpu.memory_space<hbm>>) dst(%arg7 : memref<512xi32, #tpu.memory_space<vmem>>)
      tpu.yield
    }) : () -> ()
    %mul3A_13 = arith.constant 512 : i32
    %mul3A_14 = arith.muli %mul3A_2, %mul3A_13 : i32
    "tpu.region"() ({
      %run_scoped3A = tpu.sem_alloc : memref<!tpu.dma_semaphore, #tpu.memory_space<semaphore_mem>>
      %dma_start3A_39 = tpu.memref_slice %arg4[%mul3A_14] : memref<327680xi32, #tpu.memory_space<hbm>> -> memref<512xi32, #tpu.memory_space<hbm>>
      %dma_start3A_40 = tpu.memref_slice %arg4[%mul3A_14] : memref<327680xi32, #tpu.memory_space<hbm>> -> memref<512xi32, #tpu.memory_space<hbm>>
      tpu.enqueue_dma source(%dma_start3A_40 : memref<512xi32, #tpu.memory_space<hbm>>) target(%arg8 : memref<512xi32, #tpu.memory_space<vmem>>) target_semaphore(%run_scoped3A : memref<!tpu.dma_semaphore, #tpu.memory_space<semaphore_mem>>)
      %dma_wait3A = tpu.memref_slice %arg4[%mul3A_14] : memref<327680xi32, #tpu.memory_space<hbm>> -> memref<512xi32, #tpu.memory_space<hbm>>
      %dma_wait3A_41 = tpu.memref_slice %arg4[%mul3A_14] : memref<327680xi32, #tpu.memory_space<hbm>> -> memref<512xi32, #tpu.memory_space<hbm>>
      tpu.wait_dma2 semaphore(%run_scoped3A : memref<!tpu.dma_semaphore, #tpu.memory_space<semaphore_mem>>) src(%dma_wait3A_41 : memref<512xi32, #tpu.memory_space<hbm>>) dst(%arg8 : memref<512xi32, #tpu.memory_space<vmem>>)
      tpu.yield
    }) : () -> ()
    %barrier3A = arith.constant 0 : index
    tpu.barrier barrier_id(%barrier3A)
    %dma_start3A = arith.constant 0 : i32
    %dma_start3A_15 = arith.constant 0 : i32
    %dma_start3A_16 = tpu.memref_slice %arg2[%dma_start3A, %dma_start3A_15] : memref<10000x64xf32, #tpu.memory_space<hbm>> -> memref<10000x64xf32, #tpu.memory_space<hbm>>
    tpu.enqueue_indirect_dma source(%dma_start3A_16 : memref<10000x64xf32, #tpu.memory_space<hbm>>) target(%arg11 : memref<512x64xf32, #tpu.memory_space<vmem>>) offsets(%arg7 : memref<512xi32, #tpu.memory_space<vmem>>) semaphore(%arg14 : memref<!tpu.dma_semaphore, #tpu.memory_space<semaphore_mem>>)
    %add3A_17 = arith.constant 1 : i32
    %add3A_18 = arith.addi %mul3A_2, %add3A_17 : i32
    %mul3A_19 = arith.constant 512 : i32
    %mul3A_20 = arith.muli %add3A_18, %mul3A_19 : i32
    %dma_start3A_21 = tpu.memref_slice %arg3[%mul3A_20] : memref<327680xi32, #tpu.memory_space<hbm>> -> memref<512xi32, #tpu.memory_space<hbm>>
    %dma_start3A_22 = tpu.memref_slice %arg3[%mul3A_20] : memref<327680xi32, #tpu.memory_space<hbm>> -> memref<512xi32, #tpu.memory_space<hbm>>
    tpu.enqueue_dma source(%dma_start3A_22 : memref<512xi32, #tpu.memory_space<hbm>>) target(%arg9 : memref<512xi32, #tpu.memory_space<vmem>>) target_semaphore(%arg18 : memref<!tpu.dma_semaphore, #tpu.memory_space<semaphore_mem>>)
    %add3A_23 = arith.constant 1 : i32
    %add3A_24 = arith.addi %mul3A_2, %add3A_23 : i32
    %mul3A_25 = arith.constant 512 : i32
    %mul3A_26 = arith.muli %add3A_24, %mul3A_25 : i32
    %dma_start3A_27 = tpu.memref_slice %arg4[%mul3A_26] : memref<327680xi32, #tpu.memory_space<hbm>> -> memref<512xi32, #tpu.memory_space<hbm>>
    %dma_start3A_28 = tpu.memref_slice %arg4[%mul3A_26] : memref<327680xi32, #tpu.memory_space<hbm>> -> memref<512xi32, #tpu.memory_space<hbm>>
    tpu.enqueue_dma source(%dma_start3A_28 : memref<512xi32, #tpu.memory_space<hbm>>) target(%arg10 : memref<512xi32, #tpu.memory_space<vmem>>) target_semaphore(%arg19 : memref<!tpu.dma_semaphore, #tpu.memory_space<semaphore_mem>>)
    %scan3A = arith.constant 0 : i32
    %scan3A_29 = arith.constant 0 : i32
    %scan3A_30 = arith.constant 10 : i32
    %scan3A_31 = arith.addi %scan3A_29, %scan3A_30 : i32
    %scan3A_32 = arith.constant 1 : i32
    scf.for %scan3A_39 = %scan3A_29 to %scan3A_31 step %scan3A_32  : i32 {
      %mul3A_40 = arith.constant 2 : i32
      %mul3A_41 = arith.muli %mul3A_40, %scan3A_39 : i32
      %add3A_42 = arith.constant 1 : i32
      %add3A_43 = arith.addi %mul3A_41, %add3A_42 : i32
      %dma_wait3A = arith.constant 0 : i32
      %dma_wait3A_44 = arith.constant 0 : i32
      %dma_wait3A_45 = tpu.memref_slice %arg2[%dma_wait3A, %dma_wait3A_44] : memref<10000x64xf32, #tpu.memory_space<hbm>> -> memref<10000x64xf32, #tpu.memory_space<hbm>>
      tpu.wait_indirect_dma semaphore(%arg14 : memref<!tpu.dma_semaphore, #tpu.memory_space<semaphore_mem>>) src(%dma_wait3A_45 : memref<10000x64xf32, #tpu.memory_space<hbm>>) dst(%arg11 : memref<512x64xf32, #tpu.memory_space<vmem>>)
      %dma_wait3A_46 = arith.constant 0 : i32
      %dma_wait3A_47 = tpu.memref_slice %arg3[%dma_wait3A_46] : memref<327680xi32, #tpu.memory_space<hbm>> -> memref<512xi32, #tpu.memory_space<hbm>>
      %dma_wait3A_48 = arith.constant 0 : i32
      %dma_wait3A_49 = tpu.memref_slice %arg3[%dma_wait3A_48] : memref<327680xi32, #tpu.memory_space<hbm>> -> memref<512xi32, #tpu.memory_space<hbm>>
      tpu.wait_dma2 semaphore(%arg18 : memref<!tpu.dma_semaphore, #tpu.memory_space<semaphore_mem>>) src(%dma_wait3A_49 : memref<512xi32, #tpu.memory_space<hbm>>) dst(%arg9 : memref<512xi32, #tpu.memory_space<vmem>>)
      %dma_wait3A_50 = arith.constant 0 : i32
      %dma_wait3A_51 = tpu.memref_slice %arg4[%dma_wait3A_50] : memref<327680xi32, #tpu.memory_space<hbm>> -> memref<512xi32, #tpu.memory_space<hbm>>
      %dma_wait3A_52 = arith.constant 0 : i32
      %dma_wait3A_53 = tpu.memref_slice %arg4[%dma_wait3A_52] : memref<327680xi32, #tpu.memory_space<hbm>> -> memref<512xi32, #tpu.memory_space<hbm>>
      tpu.wait_dma2 semaphore(%arg19 : memref<!tpu.dma_semaphore, #tpu.memory_space<semaphore_mem>>) src(%dma_wait3A_53 : memref<512xi32, #tpu.memory_space<hbm>>) dst(%arg10 : memref<512xi32, #tpu.memory_space<vmem>>)
      %dma_start3A_54 = arith.constant 0 : i32
      %dma_start3A_55 = arith.constant 0 : i32
      %dma_start3A_56 = tpu.memref_slice %arg2[%dma_start3A_54, %dma_start3A_55] : memref<10000x64xf32, #tpu.memory_space<hbm>> -> memref<10000x64xf32, #tpu.memory_space<hbm>>
      tpu.enqueue_indirect_dma source(%dma_start3A_56 : memref<10000x64xf32, #tpu.memory_space<hbm>>) target(%arg12 : memref<512x64xf32, #tpu.memory_space<vmem>>) offsets(%arg9 : memref<512xi32, #tpu.memory_space<vmem>>) semaphore(%arg15 : memref<!tpu.dma_semaphore, #tpu.memory_space<semaphore_mem>>)
      "tpu.region"() ({
        %run_scoped3A = tpu.sem_alloc : memref<!tpu.dma_semaphore, #tpu.memory_space<semaphore_mem>>
        %dma_start3A_80 = arith.constant 0 : i32
        %dma_start3A_81 = arith.constant 0 : i32
        %dma_start3A_82 = tpu.memref_slice %arg13[%dma_start3A_80, %dma_start3A_81] : memref<10240x64xf32, #tpu.memory_space<vmem_shared>> -> memref<10240x64xf32, #tpu.memory_space<vmem_shared>>
        tpu.enqueue_indirect_dma source(%arg11 : memref<512x64xf32, #tpu.memory_space<vmem>>) target(%dma_start3A_82 : memref<10240x64xf32, #tpu.memory_space<vmem_shared>>) offsets(%arg8 : memref<512xi32, #tpu.memory_space<vmem>>) semaphore(%run_scoped3A : memref<!tpu.dma_semaphore, #tpu.memory_space<semaphore_mem>>) {add = true}
        %dma_wait3A_83 = arith.constant 0 : i32
        %dma_wait3A_84 = arith.constant 0 : i32
        %dma_wait3A_85 = tpu.memref_slice %arg13[%dma_wait3A_83, %dma_wait3A_84] : memref<10240x64xf32, #tpu.memory_space<vmem_shared>> -> memref<10240x64xf32, #tpu.memory_space<vmem_shared>>
        tpu.wait_indirect_dma semaphore(%run_scoped3A : memref<!tpu.dma_semaphore, #tpu.memory_space<semaphore_mem>>) src(%arg11 : memref<512x64xf32, #tpu.memory_space<vmem>>) dst(%dma_wait3A_85 : memref<10240x64xf32, #tpu.memory_space<vmem_shared>>)
        tpu.yield
      }) : () -> ()
      %add3A_57 = arith.constant 2 : i32
      %add3A_58 = arith.addi %mul3A_41, %add3A_57 : i32
      %lt3A = arith.constant 20 : i32
      %lt3A_59 = arith.cmpi slt, %add3A_58, %lt3A : i32
      %convert_element_type3A_60 = arith.extui %lt3A_59 : i1 to i32
      %cond3A_61 = arith.constant 0 : i32
      %cond3A_62 = arith.cmpi ne, %convert_element_type3A_60, %cond3A_61 : i32
      scf.if %cond3A_62 {
        %add3A_80 = arith.addi %mul3A_2, %mul3A_41 : i32
        %add3A_81 = arith.constant 2 : i32
        %add3A_82 = arith.addi %add3A_80, %add3A_81 : i32
        %mul3A_83 = arith.constant 512 : i32
        %mul3A_84 = arith.muli %add3A_82, %mul3A_83 : i32
        %dma_start3A_85 = tpu.memref_slice %arg3[%mul3A_84] : memref<327680xi32, #tpu.memory_space<hbm>> -> memref<512xi32, #tpu.memory_space<hbm>>
        %dma_start3A_86 = tpu.memref_slice %arg3[%mul3A_84] : memref<327680xi32, #tpu.memory_space<hbm>> -> memref<512xi32, #tpu.memory_space<hbm>>
        tpu.enqueue_dma source(%dma_start3A_86 : memref<512xi32, #tpu.memory_space<hbm>>) target(%arg7 : memref<512xi32, #tpu.memory_space<vmem>>) target_semaphore(%arg16 : memref<!tpu.dma_semaphore, #tpu.memory_space<semaphore_mem>>)
        %add3A_87 = arith.addi %mul3A_2, %mul3A_41 : i32
        %add3A_88 = arith.constant 2 : i32
        %add3A_89 = arith.addi %add3A_87, %add3A_88 : i32
        %mul3A_90 = arith.constant 512 : i32
        %mul3A_91 = arith.muli %add3A_89, %mul3A_90 : i32
        %dma_start3A_92 = tpu.memref_slice %arg4[%mul3A_91] : memref<327680xi32, #tpu.memory_space<hbm>> -> memref<512xi32, #tpu.memory_space<hbm>>
        %dma_start3A_93 = tpu.memref_slice %arg4[%mul3A_91] : memref<327680xi32, #tpu.memory_space<hbm>> -> memref<512xi32, #tpu.memory_space<hbm>>
        tpu.enqueue_dma source(%dma_start3A_93 : memref<512xi32, #tpu.memory_space<hbm>>) target(%arg8 : memref<512xi32, #tpu.memory_space<vmem>>) target_semaphore(%arg17 : memref<!tpu.dma_semaphore, #tpu.memory_space<semaphore_mem>>)
      } else {
      }
      %dma_wait3A_63 = arith.constant 0 : i32
      %dma_wait3A_64 = arith.constant 0 : i32
      %dma_wait3A_65 = tpu.memref_slice %arg2[%dma_wait3A_63, %dma_wait3A_64] : memref<10000x64xf32, #tpu.memory_space<hbm>> -> memref<10000x64xf32, #tpu.memory_space<hbm>>
      tpu.wait_indirect_dma semaphore(%arg15 : memref<!tpu.dma_semaphore, #tpu.memory_space<semaphore_mem>>) src(%dma_wait3A_65 : memref<10000x64xf32, #tpu.memory_space<hbm>>) dst(%arg12 : memref<512x64xf32, #tpu.memory_space<vmem>>)
      %add3A_66 = arith.constant 2 : i32
      %add3A_67 = arith.addi %mul3A_41, %add3A_66 : i32
      %lt3A_68 = arith.constant 20 : i32
      %lt3A_69 = arith.cmpi slt, %add3A_67, %lt3A_68 : i32
      %convert_element_type3A_70 = arith.extui %lt3A_69 : i1 to i32
      %cond3A_71 = arith.constant 0 : i32
      %cond3A_72 = arith.cmpi ne, %convert_element_type3A_70, %cond3A_71 : i32
      scf.if %cond3A_72 {
        %dma_wait3A_80 = arith.constant 0 : i32
        %dma_wait3A_81 = tpu.memref_slice %arg3[%dma_wait3A_80] : memref<327680xi32, #tpu.memory_space<hbm>> -> memref<512xi32, #tpu.memory_space<hbm>>
        %dma_wait3A_82 = arith.constant 0 : i32
        %dma_wait3A_83 = tpu.memref_slice %arg3[%dma_wait3A_82] : memref<327680xi32, #tpu.memory_space<hbm>> -> memref<512xi32, #tpu.memory_space<hbm>>
        tpu.wait_dma2 semaphore(%arg16 : memref<!tpu.dma_semaphore, #tpu.memory_space<semaphore_mem>>) src(%dma_wait3A_83 : memref<512xi32, #tpu.memory_space<hbm>>) dst(%arg7 : memref<512xi32, #tpu.memory_space<vmem>>)
        %dma_wait3A_84 = arith.constant 0 : i32
        %dma_wait3A_85 = tpu.memref_slice %arg4[%dma_wait3A_84] : memref<327680xi32, #tpu.memory_space<hbm>> -> memref<512xi32, #tpu.memory_space<hbm>>
        %dma_wait3A_86 = arith.constant 0 : i32
        %dma_wait3A_87 = tpu.memref_slice %arg4[%dma_wait3A_86] : memref<327680xi32, #tpu.memory_space<hbm>> -> memref<512xi32, #tpu.memory_space<hbm>>
        tpu.wait_dma2 semaphore(%arg17 : memref<!tpu.dma_semaphore, #tpu.memory_space<semaphore_mem>>) src(%dma_wait3A_87 : memref<512xi32, #tpu.memory_space<hbm>>) dst(%arg8 : memref<512xi32, #tpu.memory_space<vmem>>)
        %dma_start3A_88 = arith.constant 0 : i32
        %dma_start3A_89 = arith.constant 0 : i32
        %dma_start3A_90 = tpu.memref_slice %arg2[%dma_start3A_88, %dma_start3A_89] : memref<10000x64xf32, #tpu.memory_space<hbm>> -> memref<10000x64xf32, #tpu.memory_space<hbm>>
        tpu.enqueue_indirect_dma source(%dma_start3A_90 : memref<10000x64xf32, #tpu.memory_space<hbm>>) target(%arg11 : memref<512x64xf32, #tpu.memory_space<vmem>>) offsets(%arg7 : memref<512xi32, #tpu.memory_space<vmem>>) semaphore(%arg14 : memref<!tpu.dma_semaphore, #tpu.memory_space<semaphore_mem>>)
      } else {
      }
      "tpu.region"() ({
        %run_scoped3A = tpu.sem_alloc : memref<!tpu.dma_semaphore, #tpu.memory_space<semaphore_mem>>
        %dma_start3A_80 = arith.constant 0 : i32
        %dma_start3A_81 = arith.constant 0 : i32
        %dma_start3A_82 = tpu.memref_slice %arg13[%dma_start3A_80, %dma_start3A_81] : memref<10240x64xf32, #tpu.memory_space<vmem_shared>> -> memref<10240x64xf32, #tpu.memory_space<vmem_shared>>
        tpu.enqueue_indirect_dma source(%arg12 : memref<512x64xf32, #tpu.memory_space<vmem>>) target(%dma_start3A_82 : memref<10240x64xf32, #tpu.memory_space<vmem_shared>>) offsets(%arg10 : memref<512xi32, #tpu.memory_space<vmem>>) semaphore(%run_scoped3A : memref<!tpu.dma_semaphore, #tpu.memory_space<semaphore_mem>>) {add = true}
        %dma_wait3A_83 = arith.constant 0 : i32
        %dma_wait3A_84 = arith.constant 0 : i32
        %dma_wait3A_85 = tpu.memref_slice %arg13[%dma_wait3A_83, %dma_wait3A_84] : memref<10240x64xf32, #tpu.memory_space<vmem_shared>> -> memref<10240x64xf32, #tpu.memory_space<vmem_shared>>
        tpu.wait_indirect_dma semaphore(%run_scoped3A : memref<!tpu.dma_semaphore, #tpu.memory_space<semaphore_mem>>) src(%arg12 : memref<512x64xf32, #tpu.memory_space<vmem>>) dst(%dma_wait3A_85 : memref<10240x64xf32, #tpu.memory_space<vmem_shared>>)
        tpu.yield
      }) : () -> ()
      %add3A_73 = arith.constant 2 : i32
      %add3A_74 = arith.addi %add3A_43, %add3A_73 : i32
      %lt3A_75 = arith.constant 20 : i32
      %lt3A_76 = arith.cmpi slt, %add3A_74, %lt3A_75 : i32
      %convert_element_type3A_77 = arith.extui %lt3A_76 : i1 to i32
      %cond3A_78 = arith.constant 0 : i32
      %cond3A_79 = arith.cmpi ne, %convert_element_type3A_77, %cond3A_78 : i32
      scf.if %cond3A_79 {
        %add3A_80 = arith.addi %mul3A_2, %add3A_43 : i32
        %add3A_81 = arith.constant 2 : i32
        %add3A_82 = arith.addi %add3A_80, %add3A_81 : i32
        %mul3A_83 = arith.constant 512 : i32
        %mul3A_84 = arith.muli %add3A_82, %mul3A_83 : i32
        %dma_start3A_85 = tpu.memref_slice %arg3[%mul3A_84] : memref<327680xi32, #tpu.memory_space<hbm>> -> memref<512xi32, #tpu.memory_space<hbm>>
        %dma_start3A_86 = tpu.memref_slice %arg3[%mul3A_84] : memref<327680xi32, #tpu.memory_space<hbm>> -> memref<512xi32, #tpu.memory_space<hbm>>
        tpu.enqueue_dma source(%dma_start3A_86 : memref<512xi32, #tpu.memory_space<hbm>>) target(%arg9 : memref<512xi32, #tpu.memory_space<vmem>>) target_semaphore(%arg18 : memref<!tpu.dma_semaphore, #tpu.memory_space<semaphore_mem>>)
        %add3A_87 = arith.addi %mul3A_2, %add3A_43 : i32
        %add3A_88 = arith.constant 2 : i32
        %add3A_89 = arith.addi %add3A_87, %add3A_88 : i32
        %mul3A_90 = arith.constant 512 : i32
        %mul3A_91 = arith.muli %add3A_89, %mul3A_90 : i32
        %dma_start3A_92 = tpu.memref_slice %arg4[%mul3A_91] : memref<327680xi32, #tpu.memory_space<hbm>> -> memref<512xi32, #tpu.memory_space<hbm>>
        %dma_start3A_93 = tpu.memref_slice %arg4[%mul3A_91] : memref<327680xi32, #tpu.memory_space<hbm>> -> memref<512xi32, #tpu.memory_space<hbm>>
        tpu.enqueue_dma source(%dma_start3A_93 : memref<512xi32, #tpu.memory_space<hbm>>) target(%arg10 : memref<512xi32, #tpu.memory_space<vmem>>) target_semaphore(%arg19 : memref<!tpu.dma_semaphore, #tpu.memory_space<semaphore_mem>>)
      } else {
      }
    }
    %scan3A_33 = arith.constant 10 : i32
    %barrier3A_34 = arith.constant 0 : index
    tpu.barrier barrier_id(%barrier3A_34)
    %mul3A_35 = arith.constant 625 : i32
    %mul3A_36 = arith.muli %arg1, %mul3A_35 : i32
    %mul3A_37 = arith.constant 625 : i32
    %mul3A_38 = arith.muli %arg1, %mul3A_37 : i32
    "tpu.region"() ({
      %run_scoped3A = tpu.sem_alloc : memref<!tpu.dma_semaphore, #tpu.memory_space<semaphore_mem>>
      %dma_start3A_39 = arith.constant 0 : i32
      %dma_start3A_40 = arith.constant 0 : i32
      %dma_start3A_41 = tpu.memref_slice %arg6[%arg0, %dma_start3A_39, %dma_start3A_40] : memref<2x10000x64xf32, #tpu.memory_space<hbm>> -> memref<1x10000x64xf32, #tpu.memory_space<hbm>>
      %dma_start3A_42 = tpu.memref_squeeze %dma_start3A_41 : memref<1x10000x64xf32, #tpu.memory_space<hbm>> -> memref<10000x64xf32, #tpu.memory_space<hbm>>
      %dma_start3A_43 = arith.constant 0 : i32
      %dma_start3A_44 = tpu.memref_slice %dma_start3A_42[%mul3A_38, %dma_start3A_43] : memref<10000x64xf32, #tpu.memory_space<hbm>> -> memref<625x64xf32, #tpu.memory_space<hbm>>
      %dma_start3A_45 = arith.constant 0 : i32
      %dma_start3A_46 = tpu.memref_slice %arg13[%mul3A_36, %dma_start3A_45] : memref<10240x64xf32, #tpu.memory_space<vmem_shared>> -> memref<625x64xf32, #tpu.memory_space<vmem_shared>>
      tpu.enqueue_dma source(%dma_start3A_46 : memref<625x64xf32, #tpu.memory_space<vmem_shared>>) target(%dma_start3A_44 : memref<625x64xf32, #tpu.memory_space<hbm>>) target_semaphore(%run_scoped3A : memref<!tpu.dma_semaphore, #tpu.memory_space<semaphore_mem>>)
      %dma_wait3A = arith.constant 0 : i32
      %dma_wait3A_47 = arith.constant 0 : i32
      %dma_wait3A_48 = tpu.memref_slice %arg6[%arg0, %dma_wait3A, %dma_wait3A_47] : memref<2x10000x64xf32, #tpu.memory_space<hbm>> -> memref<1x10000x64xf32, #tpu.memory_space<hbm>>
      %dma_wait3A_49 = tpu.memref_squeeze %dma_wait3A_48 : memref<1x10000x64xf32, #tpu.memory_space<hbm>> -> memref<10000x64xf32, #tpu.memory_space<hbm>>
      %dma_wait3A_50 = arith.constant 0 : i32
      %dma_wait3A_51 = tpu.memref_slice %dma_wait3A_49[%mul3A_38, %dma_wait3A_50] : memref<10000x64xf32, #tpu.memory_space<hbm>> -> memref<625x64xf32, #tpu.memory_space<hbm>>
      %dma_wait3A_52 = arith.constant 0 : i32
      %dma_wait3A_53 = tpu.memref_slice %arg13[%mul3A_36, %dma_wait3A_52] : memref<10240x64xf32, #tpu.memory_space<vmem_shared>> -> memref<625x64xf32, #tpu.memory_space<vmem_shared>>
      tpu.wait_dma2 semaphore(%run_scoped3A : memref<!tpu.dma_semaphore, #tpu.memory_space<semaphore_mem>>) src(%dma_wait3A_53 : memref<625x64xf32, #tpu.memory_space<vmem_shared>>) dst(%dma_wait3A_51 : memref<625x64xf32, #tpu.memory_space<hbm>>)
      tpu.yield
    }) : () -> ()
    return
  }
}

#map = affine_map<(d0, d1) -> (0)>
#map1 = affine_map<(d0, d1) -> (0, 0)>
#map2 = affine_map<(d0, d1) -> (0, 0, 0)>
module attributes {stable_mosaic.version = 14 : i64} {
  func.func @_deg_kernel(%arg0: i32, %arg1: i32, %arg2: memref<327680xi32, #tpu.memory_space<hbm>>, %arg3: memref<512x16xf32, #tpu.memory_space<hbm>>, %arg4: memref<640x16xf32, #tpu.memory_space<hbm>>, %arg5: memref<2x10000x16xf32, #tpu.memory_space<hbm>>, %arg6: memref<512xi32, #tpu.memory_space<vmem>>, %arg7: memref<512xi32, #tpu.memory_space<vmem>>, %arg8: memref<512x16xf32, #tpu.memory_space<vmem>>, %arg9: memref<10240x16xf32, #tpu.memory_space<vmem_shared>>, %arg10: memref<!tpu.dma_semaphore, #tpu.memory_space<semaphore_mem>>, %arg11: memref<!tpu.dma_semaphore, #tpu.memory_space<semaphore_mem>>) attributes {dimension_semantics = [#tpu.dimension_semantics<core_parallel>, #tpu.dimension_semantics<subcore_parallel>], iteration_bounds = array<i64: 2, 16>, scalar_prefetch = 0 : i64, scratch_operands = 6 : i64, tpu.core_type = #tpu.core_type<sc_vector_subcore>, window_params = [{transform_indices = #map}, {transform_indices = #map1}, {transform_indices = #map1}, {transform_indices = #map2}]} {
    %mul3A = arith.constant 16 : i32
    %mul3A_0 = arith.muli %arg0, %mul3A : i32
    %add3A = arith.addi %mul3A_0, %arg1 : i32
    %mul3A_1 = arith.constant 20 : i32
    %mul3A_2 = arith.muli %add3A, %mul3A_1 : i32
    %mul3A_3 = arith.constant 640 : i32
    %mul3A_4 = arith.muli %arg1, %mul3A_3 : i32
    "tpu.region"() ({
      %run_scoped3A = tpu.sem_alloc : memref<!tpu.dma_semaphore, #tpu.memory_space<semaphore_mem>>
      %dma_start3A_22 = arith.constant 0 : i32
      %dma_start3A_23 = tpu.memref_slice %arg9[%mul3A_4, %dma_start3A_22] : memref<10240x16xf32, #tpu.memory_space<vmem_shared>> -> memref<640x16xf32, #tpu.memory_space<vmem_shared>>
      tpu.enqueue_dma source(%arg4 : memref<640x16xf32, #tpu.memory_space<hbm>>) target(%dma_start3A_23 : memref<640x16xf32, #tpu.memory_space<vmem_shared>>) target_semaphore(%run_scoped3A : memref<!tpu.dma_semaphore, #tpu.memory_space<semaphore_mem>>)
      %dma_wait3A = arith.constant 0 : i32
      %dma_wait3A_24 = tpu.memref_slice %arg9[%mul3A_4, %dma_wait3A] : memref<10240x16xf32, #tpu.memory_space<vmem_shared>> -> memref<640x16xf32, #tpu.memory_space<vmem_shared>>
      tpu.wait_dma2 semaphore(%run_scoped3A : memref<!tpu.dma_semaphore, #tpu.memory_space<semaphore_mem>>) src(%arg4 : memref<640x16xf32, #tpu.memory_space<hbm>>) dst(%dma_wait3A_24 : memref<640x16xf32, #tpu.memory_space<vmem_shared>>)
      tpu.yield
    }) : () -> ()
    "tpu.region"() ({
      %run_scoped3A = tpu.sem_alloc : memref<!tpu.dma_semaphore, #tpu.memory_space<semaphore_mem>>
      tpu.enqueue_dma source(%arg3 : memref<512x16xf32, #tpu.memory_space<hbm>>) target(%arg8 : memref<512x16xf32, #tpu.memory_space<vmem>>) target_semaphore(%run_scoped3A : memref<!tpu.dma_semaphore, #tpu.memory_space<semaphore_mem>>)
      tpu.wait_dma2 semaphore(%run_scoped3A : memref<!tpu.dma_semaphore, #tpu.memory_space<semaphore_mem>>) src(%arg3 : memref<512x16xf32, #tpu.memory_space<hbm>>) dst(%arg8 : memref<512x16xf32, #tpu.memory_space<vmem>>)
      tpu.yield
    }) : () -> ()
    %mul3A_5 = arith.constant 512 : i32
    %mul3A_6 = arith.muli %mul3A_2, %mul3A_5 : i32
    "tpu.region"() ({
      %run_scoped3A = tpu.sem_alloc : memref<!tpu.dma_semaphore, #tpu.memory_space<semaphore_mem>>
      %dma_start3A_22 = tpu.memref_slice %arg2[%mul3A_6] : memref<327680xi32, #tpu.memory_space<hbm>> -> memref<512xi32, #tpu.memory_space<hbm>>
      %dma_start3A_23 = tpu.memref_slice %arg2[%mul3A_6] : memref<327680xi32, #tpu.memory_space<hbm>> -> memref<512xi32, #tpu.memory_space<hbm>>
      tpu.enqueue_dma source(%dma_start3A_23 : memref<512xi32, #tpu.memory_space<hbm>>) target(%arg6 : memref<512xi32, #tpu.memory_space<vmem>>) target_semaphore(%run_scoped3A : memref<!tpu.dma_semaphore, #tpu.memory_space<semaphore_mem>>)
      %dma_wait3A = tpu.memref_slice %arg2[%mul3A_6] : memref<327680xi32, #tpu.memory_space<hbm>> -> memref<512xi32, #tpu.memory_space<hbm>>
      %dma_wait3A_24 = tpu.memref_slice %arg2[%mul3A_6] : memref<327680xi32, #tpu.memory_space<hbm>> -> memref<512xi32, #tpu.memory_space<hbm>>
      tpu.wait_dma2 semaphore(%run_scoped3A : memref<!tpu.dma_semaphore, #tpu.memory_space<semaphore_mem>>) src(%dma_wait3A_24 : memref<512xi32, #tpu.memory_space<hbm>>) dst(%arg6 : memref<512xi32, #tpu.memory_space<vmem>>)
      tpu.yield
    }) : () -> ()
    %barrier3A = arith.constant 0 : index
    tpu.barrier barrier_id(%barrier3A)
    %add3A_7 = arith.constant 1 : i32
    %add3A_8 = arith.addi %mul3A_2, %add3A_7 : i32
    %mul3A_9 = arith.constant 512 : i32
    %mul3A_10 = arith.muli %add3A_8, %mul3A_9 : i32
    %dma_start3A = tpu.memref_slice %arg2[%mul3A_10] : memref<327680xi32, #tpu.memory_space<hbm>> -> memref<512xi32, #tpu.memory_space<hbm>>
    %dma_start3A_11 = tpu.memref_slice %arg2[%mul3A_10] : memref<327680xi32, #tpu.memory_space<hbm>> -> memref<512xi32, #tpu.memory_space<hbm>>
    tpu.enqueue_dma source(%dma_start3A_11 : memref<512xi32, #tpu.memory_space<hbm>>) target(%arg7 : memref<512xi32, #tpu.memory_space<vmem>>) target_semaphore(%arg11 : memref<!tpu.dma_semaphore, #tpu.memory_space<semaphore_mem>>)
    %scan3A = arith.constant 0 : i32
    %scan3A_12 = arith.constant 0 : i32
    %scan3A_13 = arith.constant 10 : i32
    %scan3A_14 = arith.addi %scan3A_12, %scan3A_13 : i32
    %scan3A_15 = arith.constant 1 : i32
    scf.for %scan3A_22 = %scan3A_12 to %scan3A_14 step %scan3A_15  : i32 {
      %mul3A_23 = arith.constant 2 : i32
      %mul3A_24 = arith.muli %mul3A_23, %scan3A_22 : i32
      %add3A_25 = arith.constant 1 : i32
      %add3A_26 = arith.addi %mul3A_24, %add3A_25 : i32
      %gt3A = arith.constant 0 : i32
      %gt3A_27 = arith.cmpi sgt, %scan3A_22, %gt3A : i32
      %convert_element_type3A = arith.extui %gt3A_27 : i1 to i32
      %cond3A = arith.constant 0 : i32
      %cond3A_28 = arith.cmpi ne, %convert_element_type3A, %cond3A : i32
      scf.if %cond3A_28 {
        %dma_wait3A_45 = arith.constant 0 : i32
        %dma_wait3A_46 = tpu.memref_slice %arg2[%dma_wait3A_45] : memref<327680xi32, #tpu.memory_space<hbm>> -> memref<512xi32, #tpu.memory_space<hbm>>
        %dma_wait3A_47 = arith.constant 0 : i32
        %dma_wait3A_48 = tpu.memref_slice %arg2[%dma_wait3A_47] : memref<327680xi32, #tpu.memory_space<hbm>> -> memref<512xi32, #tpu.memory_space<hbm>>
        tpu.wait_dma2 semaphore(%arg10 : memref<!tpu.dma_semaphore, #tpu.memory_space<semaphore_mem>>) src(%dma_wait3A_48 : memref<512xi32, #tpu.memory_space<hbm>>) dst(%arg6 : memref<512xi32, #tpu.memory_space<vmem>>)
      } else {
      }
      "tpu.region"() ({
        %run_scoped3A = tpu.sem_alloc : memref<!tpu.dma_semaphore, #tpu.memory_space<semaphore_mem>>
        %dma_start3A_45 = arith.constant 0 : i32
        %dma_start3A_46 = arith.constant 0 : i32
        %dma_start3A_47 = tpu.memref_slice %arg9[%dma_start3A_45, %dma_start3A_46] : memref<10240x16xf32, #tpu.memory_space<vmem_shared>> -> memref<10240x16xf32, #tpu.memory_space<vmem_shared>>
        tpu.enqueue_indirect_dma source(%arg8 : memref<512x16xf32, #tpu.memory_space<vmem>>) target(%dma_start3A_47 : memref<10240x16xf32, #tpu.memory_space<vmem_shared>>) offsets(%arg6 : memref<512xi32, #tpu.memory_space<vmem>>) semaphore(%run_scoped3A : memref<!tpu.dma_semaphore, #tpu.memory_space<semaphore_mem>>) {add = true}
        %dma_wait3A_48 = arith.constant 0 : i32
        %dma_wait3A_49 = arith.constant 0 : i32
        %dma_wait3A_50 = tpu.memref_slice %arg9[%dma_wait3A_48, %dma_wait3A_49] : memref<10240x16xf32, #tpu.memory_space<vmem_shared>> -> memref<10240x16xf32, #tpu.memory_space<vmem_shared>>
        tpu.wait_indirect_dma semaphore(%run_scoped3A : memref<!tpu.dma_semaphore, #tpu.memory_space<semaphore_mem>>) src(%arg8 : memref<512x16xf32, #tpu.memory_space<vmem>>) dst(%dma_wait3A_50 : memref<10240x16xf32, #tpu.memory_space<vmem_shared>>)
        tpu.yield
      }) : () -> ()
      %add3A_29 = arith.constant 2 : i32
      %add3A_30 = arith.addi %mul3A_24, %add3A_29 : i32
      %lt3A = arith.constant 20 : i32
      %lt3A_31 = arith.cmpi slt, %add3A_30, %lt3A : i32
      %convert_element_type3A_32 = arith.extui %lt3A_31 : i1 to i32
      %cond3A_33 = arith.constant 0 : i32
      %cond3A_34 = arith.cmpi ne, %convert_element_type3A_32, %cond3A_33 : i32
      scf.if %cond3A_34 {
        %add3A_45 = arith.addi %mul3A_2, %mul3A_24 : i32
        %add3A_46 = arith.constant 2 : i32
        %add3A_47 = arith.addi %add3A_45, %add3A_46 : i32
        %mul3A_48 = arith.constant 512 : i32
        %mul3A_49 = arith.muli %add3A_47, %mul3A_48 : i32
        %dma_start3A_50 = tpu.memref_slice %arg2[%mul3A_49] : memref<327680xi32, #tpu.memory_space<hbm>> -> memref<512xi32, #tpu.memory_space<hbm>>
        %dma_start3A_51 = tpu.memref_slice %arg2[%mul3A_49] : memref<327680xi32, #tpu.memory_space<hbm>> -> memref<512xi32, #tpu.memory_space<hbm>>
        tpu.enqueue_dma source(%dma_start3A_51 : memref<512xi32, #tpu.memory_space<hbm>>) target(%arg6 : memref<512xi32, #tpu.memory_space<vmem>>) target_semaphore(%arg10 : memref<!tpu.dma_semaphore, #tpu.memory_space<semaphore_mem>>)
      } else {
      }
      %dma_wait3A = arith.constant 0 : i32
      %dma_wait3A_35 = tpu.memref_slice %arg2[%dma_wait3A] : memref<327680xi32, #tpu.memory_space<hbm>> -> memref<512xi32, #tpu.memory_space<hbm>>
      %dma_wait3A_36 = arith.constant 0 : i32
      %dma_wait3A_37 = tpu.memref_slice %arg2[%dma_wait3A_36] : memref<327680xi32, #tpu.memory_space<hbm>> -> memref<512xi32, #tpu.memory_space<hbm>>
      tpu.wait_dma2 semaphore(%arg11 : memref<!tpu.dma_semaphore, #tpu.memory_space<semaphore_mem>>) src(%dma_wait3A_37 : memref<512xi32, #tpu.memory_space<hbm>>) dst(%arg7 : memref<512xi32, #tpu.memory_space<vmem>>)
      "tpu.region"() ({
        %run_scoped3A = tpu.sem_alloc : memref<!tpu.dma_semaphore, #tpu.memory_space<semaphore_mem>>
        %dma_start3A_45 = arith.constant 0 : i32
        %dma_start3A_46 = arith.constant 0 : i32
        %dma_start3A_47 = tpu.memref_slice %arg9[%dma_start3A_45, %dma_start3A_46] : memref<10240x16xf32, #tpu.memory_space<vmem_shared>> -> memref<10240x16xf32, #tpu.memory_space<vmem_shared>>
        tpu.enqueue_indirect_dma source(%arg8 : memref<512x16xf32, #tpu.memory_space<vmem>>) target(%dma_start3A_47 : memref<10240x16xf32, #tpu.memory_space<vmem_shared>>) offsets(%arg7 : memref<512xi32, #tpu.memory_space<vmem>>) semaphore(%run_scoped3A : memref<!tpu.dma_semaphore, #tpu.memory_space<semaphore_mem>>) {add = true}
        %dma_wait3A_48 = arith.constant 0 : i32
        %dma_wait3A_49 = arith.constant 0 : i32
        %dma_wait3A_50 = tpu.memref_slice %arg9[%dma_wait3A_48, %dma_wait3A_49] : memref<10240x16xf32, #tpu.memory_space<vmem_shared>> -> memref<10240x16xf32, #tpu.memory_space<vmem_shared>>
        tpu.wait_indirect_dma semaphore(%run_scoped3A : memref<!tpu.dma_semaphore, #tpu.memory_space<semaphore_mem>>) src(%arg8 : memref<512x16xf32, #tpu.memory_space<vmem>>) dst(%dma_wait3A_50 : memref<10240x16xf32, #tpu.memory_space<vmem_shared>>)
        tpu.yield
      }) : () -> ()
      %add3A_38 = arith.constant 2 : i32
      %add3A_39 = arith.addi %add3A_26, %add3A_38 : i32
      %lt3A_40 = arith.constant 20 : i32
      %lt3A_41 = arith.cmpi slt, %add3A_39, %lt3A_40 : i32
      %convert_element_type3A_42 = arith.extui %lt3A_41 : i1 to i32
      %cond3A_43 = arith.constant 0 : i32
      %cond3A_44 = arith.cmpi ne, %convert_element_type3A_42, %cond3A_43 : i32
      scf.if %cond3A_44 {
        %add3A_45 = arith.addi %mul3A_2, %add3A_26 : i32
        %add3A_46 = arith.constant 2 : i32
        %add3A_47 = arith.addi %add3A_45, %add3A_46 : i32
        %mul3A_48 = arith.constant 512 : i32
        %mul3A_49 = arith.muli %add3A_47, %mul3A_48 : i32
        %dma_start3A_50 = tpu.memref_slice %arg2[%mul3A_49] : memref<327680xi32, #tpu.memory_space<hbm>> -> memref<512xi32, #tpu.memory_space<hbm>>
        %dma_start3A_51 = tpu.memref_slice %arg2[%mul3A_49] : memref<327680xi32, #tpu.memory_space<hbm>> -> memref<512xi32, #tpu.memory_space<hbm>>
        tpu.enqueue_dma source(%dma_start3A_51 : memref<512xi32, #tpu.memory_space<hbm>>) target(%arg7 : memref<512xi32, #tpu.memory_space<vmem>>) target_semaphore(%arg11 : memref<!tpu.dma_semaphore, #tpu.memory_space<semaphore_mem>>)
      } else {
      }
    }
    %scan3A_16 = arith.constant 10 : i32
    %barrier3A_17 = arith.constant 0 : index
    tpu.barrier barrier_id(%barrier3A_17)
    %mul3A_18 = arith.constant 625 : i32
    %mul3A_19 = arith.muli %arg1, %mul3A_18 : i32
    %mul3A_20 = arith.constant 625 : i32
    %mul3A_21 = arith.muli %arg1, %mul3A_20 : i32
    "tpu.region"() ({
      %run_scoped3A = tpu.sem_alloc : memref<!tpu.dma_semaphore, #tpu.memory_space<semaphore_mem>>
      %dma_start3A_22 = arith.constant 0 : i32
      %dma_start3A_23 = arith.constant 0 : i32
      %dma_start3A_24 = tpu.memref_slice %arg5[%arg0, %dma_start3A_22, %dma_start3A_23] : memref<2x10000x16xf32, #tpu.memory_space<hbm>> -> memref<1x10000x16xf32, #tpu.memory_space<hbm>>
      %dma_start3A_25 = tpu.memref_squeeze %dma_start3A_24 : memref<1x10000x16xf32, #tpu.memory_space<hbm>> -> memref<10000x16xf32, #tpu.memory_space<hbm>>
      %dma_start3A_26 = arith.constant 0 : i32
      %dma_start3A_27 = tpu.memref_slice %dma_start3A_25[%mul3A_21, %dma_start3A_26] : memref<10000x16xf32, #tpu.memory_space<hbm>> -> memref<625x16xf32, #tpu.memory_space<hbm>>
      %dma_start3A_28 = arith.constant 0 : i32
      %dma_start3A_29 = tpu.memref_slice %arg9[%mul3A_19, %dma_start3A_28] : memref<10240x16xf32, #tpu.memory_space<vmem_shared>> -> memref<625x16xf32, #tpu.memory_space<vmem_shared>>
      tpu.enqueue_dma source(%dma_start3A_29 : memref<625x16xf32, #tpu.memory_space<vmem_shared>>) target(%dma_start3A_27 : memref<625x16xf32, #tpu.memory_space<hbm>>) target_semaphore(%run_scoped3A : memref<!tpu.dma_semaphore, #tpu.memory_space<semaphore_mem>>)
      %dma_wait3A = arith.constant 0 : i32
      %dma_wait3A_30 = arith.constant 0 : i32
      %dma_wait3A_31 = tpu.memref_slice %arg5[%arg0, %dma_wait3A, %dma_wait3A_30] : memref<2x10000x16xf32, #tpu.memory_space<hbm>> -> memref<1x10000x16xf32, #tpu.memory_space<hbm>>
      %dma_wait3A_32 = tpu.memref_squeeze %dma_wait3A_31 : memref<1x10000x16xf32, #tpu.memory_space<hbm>> -> memref<10000x16xf32, #tpu.memory_space<hbm>>
      %dma_wait3A_33 = arith.constant 0 : i32
      %dma_wait3A_34 = tpu.memref_slice %dma_wait3A_32[%mul3A_21, %dma_wait3A_33] : memref<10000x16xf32, #tpu.memory_space<hbm>> -> memref<625x16xf32, #tpu.memory_space<hbm>>
      %dma_wait3A_35 = arith.constant 0 : i32
      %dma_wait3A_36 = tpu.memref_slice %arg9[%mul3A_19, %dma_wait3A_35] : memref<10240x16xf32, #tpu.memory_space<vmem_shared>> -> memref<625x16xf32, #tpu.memory_space<vmem_shared>>
      tpu.wait_dma2 semaphore(%run_scoped3A : memref<!tpu.dma_semaphore, #tpu.memory_space<semaphore_mem>>) src(%dma_wait3A_36 : memref<625x16xf32, #tpu.memory_space<vmem_shared>>) dst(%dma_wait3A_34 : memref<625x16xf32, #tpu.memory_space<hbm>>)
      tpu.yield
    }) : () -> ()
    return
  }
}

module attributes {stable_mosaic.version = 14 : i64} {
  func.func @_mm_kernel(%arg0: i32, %arg1: memref<400x128xf32, #tpu.memory_space<vmem>>, %arg2: memref<128x64xf32, #tpu.memory_space<vmem>>, %arg3: memref<400x64xf32, #tpu.memory_space<vmem>>) attributes {dimension_semantics = [#tpu.dimension_semantics<arbitrary>], iteration_bounds = array<i64: 25>, scalar_prefetch = 0 : i64, scratch_operands = 0 : i64, tpu.core_type = #tpu.core_type<tc>, window_params = [{transform_indices = @transform_0, window_bounds = array<i64: 400, 128>}, {pipeline_mode = #tpu.pipeline_mode<synchronous>, transform_indices = @transform_1, window_bounds = array<i64: 128, 64>}, {transform_indices = @transform_2, window_bounds = array<i64: 400, 64>}]} {
    %get3A = arith.constant 0 : index
    %get3A_0 = arith.constant 0 : index
    %get3A_1 = vector.load %arg1[%get3A, %get3A_0] : memref<400x128xf32, #tpu.memory_space<vmem>>, vector<400x128xf32>
    %get3A_2 = arith.constant 0 : index
    %get3A_3 = arith.constant 0 : index
    %get3A_4 = vector.load %arg2[%get3A_2, %get3A_3] : memref<128x64xf32, #tpu.memory_space<vmem>>, vector<128x64xf32>
    %dot_general3A = arith.constant dense<0.000000e+00> : vector<400x64xf32>
    %dot_general3A_5 = tpu.matmul %get3A_1, %get3A_4, %dot_general3A {dimension_numbers = #tpu.dot_dimension_numbers<[1], [0], [0], [1], [0, 0, 1, 1], [], []>, transpose_lhs_hint = false} : vector<400x128xf32>, vector<128x64xf32>, vector<400x64xf32> -> vector<400x64xf32>
    %swap3A = arith.constant 0 : index
    %swap3A_6 = arith.constant 0 : index
    %swap3A_7 = vector.load %arg3[%swap3A, %swap3A_6] : memref<400x64xf32, #tpu.memory_space<vmem>>, vector<400x64xf32>
    tpu.vector_store %arg3[%swap3A, %swap3A_6], %dot_general3A_5 {strides = array<i32>} : memref<400x64xf32, #tpu.memory_space<vmem>>, vector<400x64xf32>,
    return
  }
  func.func @transform_0(%arg0: i32) -> (i32, i32) {
    %c0_i32 = arith.constant 0 : i32
    %c0_i32_0 = arith.constant 0 : i32
    return %arg0, %c0_i32 : i32, i32
  }
  func.func @transform_1(%arg0: i32) -> (i32, i32) {
    %c0_i32 = arith.constant 0 : i32
    %c0_i32_0 = arith.constant 0 : i32
    %c0_i32_1 = arith.constant 0 : i32
    return %c0_i32, %c0_i32_0 : i32, i32
  }
  func.func @transform_2(%arg0: i32) -> (i32, i32) {
    %c0_i32 = arith.constant 0 : i32
    %c0_i32_0 = arith.constant 0 : i32
    return %arg0, %c0_i32 : i32, i32
  }
}

module attributes {stable_mosaic.version = 14 : i64} {
  func.func @_mid_kernel(%arg0: i32, %arg1: memref<2x400x64xf32, #tpu.memory_space<vmem>>, %arg2: memref<2x400x16xf32, #tpu.memory_space<vmem>>, %arg3: memref<64xf32, #tpu.memory_space<vmem>>, %arg4: memref<64x128xf32, #tpu.memory_space<vmem>>, %arg5: memref<2x400x64xf32, #tpu.memory_space<vmem>>) attributes {dimension_semantics = [#tpu.dimension_semantics<arbitrary>], iteration_bounds = array<i64: 25>, scalar_prefetch = 0 : i64, scratch_operands = 0 : i64, tpu.core_type = #tpu.core_type<tc>, window_params = [{transform_indices = @transform_0, window_bounds = array<i64: 2, 400, 64>}, {transform_indices = @transform_1, window_bounds = array<i64: 2, 400, 16>}, {pipeline_mode = #tpu.pipeline_mode<synchronous>, transform_indices = @transform_2, window_bounds = array<i64: 64>}, {pipeline_mode = #tpu.pipeline_mode<synchronous>, transform_indices = @transform_3, window_bounds = array<i64: 64, 128>}, {transform_indices = @transform_4, window_bounds = array<i64: 2, 400, 64>}]} {
    %get3A = arith.constant 0 : index
    %get3A_0 = arith.constant 0 : index
    %get3A_1 = arith.constant 0 : index
    %get3A_2 = vector.load %arg2[%get3A, %get3A_0, %get3A_1] : memref<2x400x16xf32, #tpu.memory_space<vmem>>, vector<1x400x1xf32>
    %get3A_3 = vector.shape_cast %get3A_2 : vector<1x400x1xf32> to vector<400xf32>
    %get3A_4 = arith.constant 1 : index
    %get3A_5 = arith.constant 0 : index
    %get3A_6 = arith.constant 0 : index
    %get3A_7 = vector.load %arg2[%get3A_4, %get3A_5, %get3A_6] : memref<2x400x16xf32, #tpu.memory_space<vmem>>, vector<1x400x1xf32>
    %get3A_8 = vector.shape_cast %get3A_7 : vector<1x400x1xf32> to vector<400xf32>
    %add3A = arith.addf %get3A_3, %get3A_8 : vector<400xf32>
    %add3A_9 = arith.constant 1.000000e+00 : f32
    %add3A_10 = vector.broadcast %add3A_9 : f32 to vector<400xf32>
    %add3A_11 = arith.addf %add3A, %add3A_10 : vector<400xf32>
    %rsqrt3A = math.rsqrt %add3A_11 : vector<400xf32>
    %get3A_12 = arith.constant 0 : index
    %get3A_13 = arith.constant 0 : index
    %get3A_14 = arith.constant 0 : index
    %get3A_15 = vector.load %arg1[%get3A_12, %get3A_13, %get3A_14] : memref<2x400x64xf32, #tpu.memory_space<vmem>>, vector<1x400x64xf32>
    %get3A_16 = vector.shape_cast %get3A_15 : vector<1x400x64xf32> to vector<400x64xf32>
    %get3A_17 = arith.constant 1 : index
    %get3A_18 = arith.constant 0 : index
    %get3A_19 = arith.constant 0 : index
    %get3A_20 = vector.load %arg1[%get3A_17, %get3A_18, %get3A_19] : memref<2x400x64xf32, #tpu.memory_space<vmem>>, vector<1x400x64xf32>
    %get3A_21 = vector.shape_cast %get3A_20 : vector<1x400x64xf32> to vector<400x64xf32>
    %add3A_22 = arith.addf %get3A_16, %get3A_21 : vector<400x64xf32>
    %broadcast_in_dim3A = vector.shape_cast %rsqrt3A : vector<400xf32> to vector<400x1xf32>
    %mul3A = vector.broadcast %broadcast_in_dim3A : vector<400x1xf32> to vector<400x64xf32>
    %mul3A_23 = arith.mulf %add3A_22, %mul3A : vector<400x64xf32>
    %get3A_24 = arith.constant 0 : index
    %get3A_25 = vector.load %arg3[%get3A_24] : memref<64xf32, #tpu.memory_space<vmem>>, vector<64xf32>
    %broadcast_in_dim3A_26 = vector.shape_cast %get3A_25 : vector<64xf32> to vector<1x64xf32>
    %add3A_27 = vector.broadcast %broadcast_in_dim3A_26 : vector<1x64xf32> to vector<400x64xf32>
    %add3A_28 = arith.addf %mul3A_23, %add3A_27 : vector<400x64xf32>
    %max3A = arith.constant 0.000000e+00 : f32
    %max3A_29 = vector.broadcast %max3A : f32 to vector<400x64xf32>
    %max3A_30 = arith.maximumf %add3A_28, %max3A_29 : vector<400x64xf32>
    %get3A_31 = arith.constant 0 : index
    %get3A_32 = arith.constant 0 : index
    %get3A_33 = vector.load %arg4[%get3A_31, %get3A_32] : memref<64x128xf32, #tpu.memory_space<vmem>>, vector<64x128xf32>
    %dot_general3A = arith.constant dense<0.000000e+00> : vector<400x128xf32>
    %dot_general3A_34 = tpu.matmul %max3A_30, %get3A_33, %dot_general3A {dimension_numbers = #tpu.dot_dimension_numbers<[1], [0], [0], [1], [0, 0, 1, 1], [], []>, transpose_lhs_hint = false} : vector<400x64xf32>, vector<64x128xf32>, vector<400x128xf32> -> vector<400x128xf32>
    %broadcast_in_dim3A_35 = vector.shape_cast %rsqrt3A : vector<400xf32> to vector<400x1xf32>
    %mul3A_36 = vector.broadcast %broadcast_in_dim3A_35 : vector<400x1xf32> to vector<400x128xf32>
    %mul3A_37 = arith.mulf %dot_general3A_34, %mul3A_36 : vector<400x128xf32>
    %slice3A = vector.extract_strided_slice %mul3A_37 {offsets = [0, 0], sizes = [400, 64], strides = [1, 1]} : vector<400x128xf32> to vector<400x64xf32>
    %swap3A = arith.constant 0 : index
    %swap3A_38 = arith.constant 0 : index
    %swap3A_39 = arith.constant 0 : index
    %swap3A_40 = vector.load %arg5[%swap3A, %swap3A_38, %swap3A_39] : memref<2x400x64xf32, #tpu.memory_space<vmem>>, vector<1x400x64xf32>
    %swap3A_41 = vector.shape_cast %swap3A_40 : vector<1x400x64xf32> to vector<400x64xf32>
    %swap3A_42 = vector.shape_cast %slice3A : vector<400x64xf32> to vector<1x400x64xf32>
    tpu.vector_store %arg5[%swap3A, %swap3A_38, %swap3A_39], %swap3A_42 {strides = array<i32>} : memref<2x400x64xf32, #tpu.memory_space<vmem>>, vector<1x400x64xf32>,
    %slice3A_43 = vector.extract_strided_slice %mul3A_37 {offsets = [0, 64], sizes = [400, 64], strides = [1, 1]} : vector<400x128xf32> to vector<400x64xf32>
    %swap3A_44 = arith.constant 1 : index
    %swap3A_45 = arith.constant 0 : index
    %swap3A_46 = arith.constant 0 : index
    %swap3A_47 = vector.load %arg5[%swap3A_44, %swap3A_45, %swap3A_46] : memref<2x400x64xf32, #tpu.memory_space<vmem>>, vector<1x400x64xf32>
    %swap3A_48 = vector.shape_cast %swap3A_47 : vector<1x400x64xf32> to vector<400x64xf32>
    %swap3A_49 = vector.shape_cast %slice3A_43 : vector<400x64xf32> to vector<1x400x64xf32>
    tpu.vector_store %arg5[%swap3A_44, %swap3A_45, %swap3A_46], %swap3A_49 {strides = array<i32>} : memref<2x400x64xf32, #tpu.memory_space<vmem>>, vector<1x400x64xf32>,
    return
  }
  func.func @transform_0(%arg0: i32) -> (i32, i32, i32) {
    %c0_i32 = arith.constant 0 : i32
    %c0_i32_0 = arith.constant 0 : i32
    %c0_i32_1 = arith.constant 0 : i32
    return %c0_i32, %arg0, %c0_i32_0 : i32, i32, i32
  }
  func.func @transform_1(%arg0: i32) -> (i32, i32, i32) {
    %c0_i32 = arith.constant 0 : i32
    %c0_i32_0 = arith.constant 0 : i32
    %c0_i32_1 = arith.constant 0 : i32
    return %c0_i32, %arg0, %c0_i32_0 : i32, i32, i32
  }
  func.func @transform_2(%arg0: i32) -> i32 {
    %c0_i32 = arith.constant 0 : i32
    %c0_i32_0 = arith.constant 0 : i32
    return %c0_i32 : i32
  }
  func.func @transform_3(%arg0: i32) -> (i32, i32) {
    %c0_i32 = arith.constant 0 : i32
    %c0_i32_0 = arith.constant 0 : i32
    %c0_i32_1 = arith.constant 0 : i32
    return %c0_i32, %c0_i32_0 : i32, i32
  }
  func.func @transform_4(%arg0: i32) -> (i32, i32, i32) {
    %c0_i32 = arith.constant 0 : i32
    %c0_i32_0 = arith.constant 0 : i32
    %c0_i32_1 = arith.constant 0 : i32
    return %c0_i32, %arg0, %c0_i32_0 : i32, i32, i32
  }
}

</mosaic_0001>

<sc_bundles>
// kernel: _run.10.cloned.1.call-start
scs
__scs_entry_jumppad:
0x0: {  	(pc) =	sbr.rel $0x88, $3  }
0x1: {  	(tag) =	ssettag $0x0;
	lr =	simm.s32 $0x1  }
0x2: {  	[smem:$0x3F9B] =	sst lr;
	_ =	strace $0xD0000000  }
0x3: {  	_ = 	snop  }
0x4: {  	_ = 	snop  }
0x5: {  	_ = 	snop  }
0x6: {  	_ = 	snop  }
0x7: {  	_ = 	snop  }
__scs_overlays_trampoline_lowered:
0x8: {  	[smem:$0x3FAA] =	sst s0  }
0x9: {  	[smem:$0x3FAB] =	sst s1  }
0xa: {  	[smem:$0x3FAC] =	sst s2  }
0xb: {  	[smem:$0x3FAD] =	sst s3  }
0xc: {  	[smem:$0x3FAE] =	sst s4  }
0xd: {  	[smem:$0x3FAF] =	sst s5  }
0xe: {  	[smem:$0x3FB0] =	sst s6  }
0xf: {  	[smem:$0x3FB1] =	sst s7  }
0x10: {  	[smem:$0x3FB2] =	sst s8  }
0x11: {  	[smem:$0x3FB3] =	sst s9;
	s0 =	simm.s32 @!p0 $0x0  }
0x12: {  	s1 =	sld [smem:$0x3F99];
	s0 =	simm.s32 @p0 $0x1  }
0x13: {  	[smem:$0x3FB4] =	sst s0;
	s0 =	simm.s32 @!p1 $0x0  }
0x14: {  	s2 =	sld [smem:$0x3F98];
	s0 =	simm.s32 @p1 $0x1  }
0x15: {  	[smem:$0x3FB5] =	sst s0;
	s0 =	simm.s32 @!p2 $0x0  }
0x16: {  	s3 =	sld [smem:$0x3FDB];
	s0 =	simm.s32 @p2 $0x1  }
0x17: {  	s4 =	simm.s32 $0x1BF5;
	[smem:$0x3FB7] =	sst s0  }
0x18: {  	s0 =	sld [smem:$0x3F9A];
	_ =	swait.ge [sflag:s4], $0x0  }
0x19: {  	s7 =	sld [smem:$0x3F9B]  }
0x1a: {  	s8 =	sadd.s32 $0xFFFFE003, lr  }
0x1b: {  	s9 =	sadd.s32 $0xFFFFFEF7, lr;
	s5 =	simm.s32 $0xFFFFFFFF;
	p2 =	slt.u32 s8, $0xFFFFF086  }
0x1c: {  	p1 =	slt.u32 s9, $0xF7A;
	s5 =	simm.s32 @!p2 $0x0  }
0x1d: {  	s5 =	simm.s32 @p1 $0x1;
	p0 =	seq.s32 s7, s2  }
0x1e: {  	s7 =	smul.u32 @!p0 $0xF7A, s2;
	p2 =	seq.s32 @!p0 s5, $0x0  }
0x1f: {  	s9 =	smul.u32 $0xF7A, s1;
	s8 =	simm.s32 @!p0 $0x1BF5;
	p2 =	por !p2, p0  }
0x20: {  	[sflag:s8] =	ssyncset.s32 @!p0 $0xFFFFF086;
	s6 =	sadd.s32 @!p0 s3, s7;
	s7 =	simm.s32 @!p0 $0x108  }
0x21: {  	s3 =	sadd.s32 s3, s9;
	s6 =	sadd.s32 @!p0 $0x88, s6;
	s7 =	simm.s32 @p2 $0x1082  }
0x22: {  	[simem:s7], [sflag:s8] =	dma.local @!p0 [hbm:s6], $0xF7A  }
0x23: {  	s9 =	sor.u32 $0xD0000000, s2;
	s6 =	simm.s32 $0x108;
	_ =	swait.ge @!p0 [sflag:s8], $0x0  }
0x24: {  	s3 =	sadd.s32 $0x88, s3;
	s6 =	simm.s32 @!p1 $0x1082;
	[sflag:s4] =	ssyncset.s32 $0xFFFFF086  }
0x25: {  	[simem:s6], [sflag:s4] =	dma.local [hbm:s3], $0xF7A  }
0x26: {  	[smem:$0x3F9B] =	sst s1;
	(tag) =	ssettag s2;
	_ =	strace s9  }
0x27: {  	s1 =	sld [smem:$0x3FAB]  }
0x28: {  	s2 =	sld [smem:$0x3FAC]  }
0x29: {  	s4 =	sld [smem:$0x3FAE]  }
0x2a: {  	p0 =	seq.s32 s5, $0x0;
	s5 =	sld [smem:$0x3FAF]  }
0x2b: {  	s6 =	sld [smem:$0x3FB0]  }
0x2c: {  	s7 =	sld [smem:$0x3FB1]  }
0x2d: {  	s3 =	simm.s32 $0x108;
	s8 =	sld [smem:$0x3FB2]  }
0x2e: {  	s3 =	simm.s32 @!p0 $0x1082;
	s9 =	sld [smem:$0x3FB3]  }
0x2f: {  	lr =	sadd.s32 s0, s3;
	s0 =	sld [smem:$0x3FAA]  }
0x30: {  	s3 =	sld [smem:$0x3FAD]  }
0x31: {  	[smem:$0x3FB6] =	sst s10  }
0x32: {  	s10 =	sld [smem:$0x3FB4];
	_ =	sdelay $0x3  }
0x33: {  	p0 =	seq.s32 s10, $0x1;
	s10 =	sld [smem:$0x3FB6];
	_ =	sdelay $0x3  }
0x34: {  	[smem:$0x3FB6] =	sst s10  }
0x35: {  	s10 =	sld [smem:$0x3FB5];
	_ =	sdelay $0x3  }
0x36: {  	p1 =	seq.s32 s10, $0x1;
	s10 =	sld [smem:$0x3FB6];
	_ =	sdelay $0x3  }
0x37: {  	[smem:$0x3FB6] =	sst s10  }
0x38: {  	s10 =	sld [smem:$0x3FB7]  }
0x39: {  	_ = 	snop;
	(pc) =	sbr.ind lr, $3  }
0x3a: {  	_ = 	snop  }
0x3b: {  	_ = 	snop  }
0x3c: {  	p2 =	seq.s32 s10, $0x1;
	s10 =	sld [smem:$0x3FB6]  }
0x3d: {  	_ =	shalt  }
0x3e: {  	_ =	shalt  }
0x3f: {  	_ =	shalt  }
0x40: {  	_ =	shalt  }
0x41: {  	_ =	shalt  }
0x42: {  	_ =	shalt  }
0x43: {  	_ =	shalt  }
0x44: {  	_ =	shalt  }
0x45: {  	_ =	shalt  }
0x46: {  	_ =	shalt  }
0x47: {  	_ =	shalt  }
0x48: {  	_ =	shalt  }
0x49: {  	_ =	shalt  }
0x4a: {  	_ =	shalt  }
0x4b: {  	_ =	shalt  }
0x4c: {  	_ =	shalt  }
0x4d: {  	_ =	shalt  }
0x4e: {  	_ =	shalt  }
0x4f: {  	_ =	shalt  }
0x50: {  	_ =	shalt  }
0x51: {  	_ =	shalt  }
0x52: {  	_ =	shalt  }
0x53: {  	_ =	shalt  }
0x54: {  	_ =	shalt  }
0x55: {  	_ =	shalt  }
0x56: {  	_ =	shalt  }
0x57: {  	_ =	shalt  }
0x58: {  	_ =	shalt  }
0x59: {  	_ =	shalt  }
0x5a: {  	_ =	shalt  }
0x5b: {  	_ =	shalt  }
0x5c: {  	_ =	shalt  }
0x5d: {  	_ =	shalt  }
0x5e: {  	_ =	shalt  }
0x5f: {  	_ =	shalt  }
0x60: {  	_ =	shalt  }
0x61: {  	_ =	shalt  }
0x62: {  	_ =	shalt  }
0x63: {  	_ =	shalt  }
0x64: {  	_ =	shalt  }
0x65: {  	_ =	shalt  }
0x66: {  	_ =	shalt  }
0x67: {  	_ =	shalt  }
0x68: {  	_ =	shalt  }
0x69: {  	_ =	shalt  }
0x6a: {  	_ =	shalt  }
0x6b: {  	_ =	shalt  }
0x6c: {  	_ =	shalt  }
0x6d: {  	_ =	shalt  }
0x6e: {  	_ =	shalt  }
0x6f: {  	_ =	shalt  }
0x70: {  	_ =	shalt  }
0x71: {  	_ =	shalt  }
0x72: {  	_ =	shalt  }
0x73: {  	_ =	shalt  }
0x74: {  	_ =	shalt  }
0x75: {  	_ =	shalt  }
0x76: {  	_ =	shalt  }
0x77: {  	_ =	shalt  }
0x78: {  	_ =	shalt  }
0x79: {  	_ =	shalt  }
0x7a: {  	_ =	shalt  }
0x7b: {  	_ =	shalt  }
0x7c: {  	_ =	shalt  }
0x7d: {  	_ =	shalt  }
0x7e: {  	_ =	shalt  }
0x7f: {  	_ =	shalt  }
0x80: {  	_ =	shalt  }
0x81: {  	_ =	shalt  }
0x82: {  	_ =	shalt  }
0x83: {  	_ =	shalt  }
0x84: {  	_ =	shalt  }
0x85: {  	_ =	shalt  }
0x86: {  	_ =	shalt  }
0x87: {  	_ =	shalt  }
.Lfunc_end0:
.L_simem_size_0:
called_computation.1_lowered:
.L_overlay_start_0:
0x88: {  	s2 =	sld [smem:$0x3FD9]  }
0x89: {  	s3 =	sld [smem:$0x3FFE];
	_ =	sdelay $0x1  }
0x8a: {  	s1 =	srdreg.scid  }
0x8b: {  	s0 =	sand.u32 $0x1, s1  }
0x8c: {  	s17 =	sshll.u32 s0, $0xA;
	s2 =	sadd.s32 s3, s2  }
0x8d: {  	s2 =	sadd.s32 s2, s17  }
0x8e: {  	[smem:$0x3FC2] =	sst s2  }
0x8f: {  	_ = 	snop  }
0x90: {  	s2 =	sld [smem:$0x3FD0];
	(tm) =	ssettm $0x1  }
0x91: {  	s18 =	sld [smem:$0x3FFB];
	_ =	sdelay $0x3  }
0x92: {  	_ =	strace s18  }
0x93: {  	s3 =	sld [smem:$0x3FFC];
	_ =	sdelay $0x3  }
0x94: {  	_ =	strace s3  }
0x95: {  	s3 =	sld [smem:$0x3FFD];
	_ =	sdelay $0x3  }
0x96: {  	_ =	strace s3  }
0x97: {  	_ =	strace $0x8FFFFFFF  }
0x98: {  	s19 =	sld [smem:$0x3FDB];
	_ =	sdelay $0x1  }
0x99: {  	s4 =	simm.s32 $_scs_section_size  }
0x9a: {  	s5 =	simm.s32 $_size__tile_overlayer_lowered;
	s6 =	simm.s32 $_tile_overlayer_lowered  }
0x9b: {  	s22 =	simm.s32 $0x1BFF;
	s21 =	sshll.u32 s6, $0x1;
	s3 =	sadd.s32 s4, s19  }
0x9c: {  	s7 =	simm.s32 $0x0;
	s20 =	sshll.u32 s5, $0x1;
	s5 =	sadd.s32 s21, s3  }
0x9d: {  	[timem:s7], [sflag:s22] =	dma.local [hbm:s5], s20  }
0x9e: {  	_ =	swait.ge [sflag:s22], s20  }
0x9f: {  	s4 =	ssub.s32 $0x0, s20;
	[sflag:s22] =	ssyncset.done $0x0  }
0xa0: {  	[sflag:s22] =	ssyncadd.s32 s4;
	_ =	sdelay $0x1  }
0xa1: {  	s23 =	simm.s32 $0x1B8B  }
0xa2: {  	_ =	swait.ge [sflag:s23], $0x1  }
0xa3: {  	[sflag:s23] =	ssyncset.done $0x0  }
0xa4: {  	s25 =	simm.s32 $0x1B8E;
	s24 =	sld [smem:$0x3FFE];
	[sflag:s23] =	ssyncadd.s32 $0xFFFFFFFF  }
0xa5: {  	s26 =	simm.s32 $execute0_lowered;
	[smem:$0x3FD2] =	sst s25  }
0xa6: {  	s5 =	sshll.u32 s26, $0x1;
	_ =	strace $0x80000049;
	[dreg:$0x1] =	wrdreg $0xFFFFFFFF  }
0xa7: {  	s28 =	simm.s32 $_size_execute0_lowered;
	s3 =	sadd.s32 s3, s5;
	[dreg:$0x0] =	wrdreg $0x0  }
0xa8: {  	s5 =	sshll.u32 s28, $0x1;
	[dreg:$0x2] =	wrdreg s3  }
0xa9: {  	[dreg:$0x3] =	wrdreg s5  }
0xaa: {  	[dreg:$0x4] =	wrdreg $0xC0  }
0xab: {  	_ =	task [dreg:s7], $0x5FFFF  }
0xac: {  	[dreg:$0x1] =	wrdreg $0xFFFFFFFF  }
0xad: {  	[dreg:$0x0] =	wrdreg $0x60  }
0xae: {  	[dreg:$0x2] =	wrdreg s24  }
0xaf: {  	[dreg:$0x3] =	wrdreg s2  }
0xb0: {  	[dreg:$0x4] =	wrdreg $0x108000  }
0xb1: {  	[dreg:$0x5] =	wrdreg $0x9  }
0xb2: {  	_ =	task.clear_ibuf [dreg:s7], $0x6FFFF;
	_ =	strace $0x90000049  }
0xb3: {  	s29 =	simm.s32 $0x9;
	_ =	strace $0x8000004B  }
0xb4: {  	_ =	swait.ge [sflag:s29], $0x1  }
0xb5: {  	[sflag:s29] =	ssyncadd.s32 $0xFFFFFFFF  }
0xb6: {  	_ =	strace $0x9000004B  }
0xb7: {  	_ =	sfence  }
0xb8: {  	s30 =	sld [smem:$0x0];
	_ =	sdelay $0x2  }
0xb9: {  	s31 =	sshll.u32 s1, $0xD;
	s1 =	sshrl.u32 s1, $0x2  }
0xba: {  	s3 =	sand.u32 $0x4000, s31;
	s1 =	sadd.s32 s1, s30  }
0xbb: {  	s0 =	sor.u32 s3, s0;
	s1 =	sshll.u32 s1, $0x11  }
0xbc: {  	s0 =	sor.u32 s1, s0  }
0xbd: {  	s0 =	sadd.s32 $0x8F2B, s0  }
0xbe: {  	[sflag:s0] =	ssyncadd.remote.s32 $0x1  }
0xbf: {  	_ =	sfence.sel $0xFFFF  }
0xc0: {  	[dreg:$0x0] =	wrdreg $0xFFFFFFFF;
	(pc) =	sbr.abs _section_cstart, $3  }
0xc1: {  	[dreg:$0x1] =	wrdreg $0xFFFFFFFF  }
0xc2: {  	_ =	task.clear_ibuf [dreg:s7], $0x2FFFF;
	_ =	strace $0x9FFFFFFF  }
0xc3: {  	(tm) =	ssettm $0x7FFFFFFF  }
tec
execute0_lowered:
.L_overlay_start_1:
0x0: {  	(tag) =	ssettag $0x1  }
0x1: {  	s0 =	rddreg [dreg:$0x0]  }
0x2: {  	s7 =	rddreg [dreg:$0x1]  }
0x3: {  	s1 =	rddreg [dreg:$0x2];
	s2 =	simm.s32 $0x0;
	s5 =	srdreg.scid  }
0x4: {  	s3 =	stileid.u32;
	s28 =	simm.s32 $0x6;
	s29 =	simm.s32 $0x8800  }
0x5: {  	s30 =	simm.s32 $0x2;
	s31 =	simm.s32 $0x3;
	[smem:$0x7FF] =	sst s2  }
0x6: {  	s4 =	sadd.s32 $0x63600, s0;
	s8 =	sadd.s32 $0xB400, s0;
	s10 =	smul.u32 $0x28000, s3  }
0x7: {  	s9 =	sadd.s32 $0x1400, s0;
	s13 =	sand.u32 $0x1, s5;
	s14 =	smul.u32 $0xA000, s3  }
0x8: {  	s5 =	sadd.s32 $0x77000, s0;
	s0 =	sadd.s32 $0x76200, s0;
	s16 =	smul.u32 $0x9C40, s3  }
0x9: {  	_ =	strace $0x8000004A;
	s6 =	ssub.s32 $0x2, s13;
	s12 =	sshll.u32 s13, $0x4  }
0xa: {  	[dreg:$0x5] =	wrdreg s0;
	s0 =	sadd.s32 $0x9C400, s1;
	s22 =	smul.u32 $0x13880, s13  }
0xb: {  	p0 =	sne.s32 s13, $0x0;
	s11 =	sshrl.u32 s6, $0x1;
	s18 =	sor.u32 s3, s12  }
0xc: {  	s19 =	sshrl.u32 s10, $0x2;
	s20 =	sshrl.u32 s14, $0x3;
	s17 =	sadd.s32 s14, s1  }
0xd: {  	p2 =	seq.s32 @!p0 s3, $0xF;
	s15 =	ssub.s32 s6, s11;
	s11 =	smul.u32 $0x500, s18  }
0xe: {  	s6 =	sadd.s32 s19, s1;
	s10 =	sadd.s32 s4, s20;
	s18 =	smul.u32 $0x5000, s13  }
0xf: {  	s7 =	sadd.s32 s7, s22;
	s19 =	smul.u32 $0x500, s3;
	p1 =	por !p2, p0  }
0x10: {  	p2 =	por p2, p0;
	s20 =	simm.s32 $0x800;
	s22 =	simm.s32 $0x600  }
0x11: {  	[dreg:$0x4] =	wrdreg s10;
	s13 =	smax.u32 s15, $0x1;
	s21 =	sadd.s32 s8, s11  }
0x12: {  	s17 =	sshrl.u32 @!p2 s17, $0x3;
	s23 =	sadd.s32 s9, s11;
	[dreg:$0x6] =	wrdreg s21  }
0x13: {  	s24 =	sor.u32 $0x40, s11;
	s26 =	sadd.s32 s18, s9;
	[dreg:$0x7] =	wrdreg s23  }
0x14: {  	s25 =	sadd.s32 s8, s24;
	s12 =	sadd.s32 s9, s24;
	s23 =	sshrl.u32 s16, $0x3  }
0x15: {  	s8 =	sadd.s32 s18, s8;
	s15 =	sadd.s32 s19, s26;
	s18 =	simm.s32 $0x7  }
0x16: {  	s21 =	simm.s32 $0x400;
	s24 =	simm.s32 $0x1;
	s26 =	simm.s32 $0x5  }
0x17: {  	[dreg:$0x8] =	wrdreg s25;
	s25 =	sadd.s32 s16, s1;
	s14 =	sadd.s32 s19, s8  }
0x18: {  	s16 =	sshrl.u32 @!p1 s0, $0x3;
	s19 =	simm.s32 $0x200;
	s23 =	sadd.s32 s23, s7  }
0x19: {  	s0 =	simm.s32 $0x4;
	s7 =	simm.s32 $0x0;
	s25 =	sshrl.u32 s25, $0x3  }
.LBB2_1:
0x1a: {  	s8 =	sshll.u32 @p0 s3, $0x6  }
0x1b: {  	s9 =	sshrl.u32 @p0 s6, $0x3;
	s8 =	sor.u32 @p0 $0x1C07, s8  }
0x1c: {  	[spmem:s9], [sflag:s8] =	dma.local @p0 [hbm:s5], $0x1400  }
0x1d: {  	s8 =	simm.s32 @p0 $0x7  }
0x1e: {  	_ =	swait.ge @p0 [sflag:s8], $0x1400  }
0x1f: {  	s9 =	simm.s32 @!p1 $0x1FC7;
	[sflag:s8] =	ssyncset.done @p0 $0x0  }
0x20: {  	s10 =	rddreg [dreg:$0x5];
	[sflag:s8] =	ssyncadd.s32 @p0 $0xFFFFEC00;
	s8 =	sshrl.u32 @!p1 s6, $0x3  }
0x21: {  	[spmem:s8], [sflag:s9] =	dma.local @!p1 [hbm:s10], $0xC80  }
0x22: {  	s8 =	simm.s32 @!p1 $0x7  }
0x23: {  	_ =	swait.ge @!p1 [sflag:s8], $0xC80  }
0x24: {  	[sflag:s8] =	ssyncset.done @!p1 $0x0  }
0x25: {  	[sflag:s8] =	ssyncadd.s32 @!p1 $0xFFFFF380  }
0x26: {  	[spmem:s16], [sflag:s9] =	dma.local @!p1 [hbm:s5], $0x780  }
0x27: {  	_ =	swait.ge @!p1 [sflag:s8], $0x780  }
0x28: {  	s9 =	sshll.u32 @!p2 s3, $0x6;
	[sflag:s8] =	ssyncset.done @!p1 $0x0  }
0x29: {  	[sflag:s8] =	ssyncadd.s32 @!p1 $0xFFFFF880;
	s8 =	sor.u32 @!p2 $0x1C07, s9;
	s9 =	rddreg [dreg:$0x4]  }
0x2a: {  	[spmem:s17], [sflag:s8] =	dma.local @!p2 [hbm:s9], $0x1400  }
0x2b: {  	s8 =	simm.s32 @!p2 $0x7  }
0x2c: {  	_ =	swait.ge @!p2 [sflag:s8], $0x1400  }
0x2d: {  	[sflag:s8] =	ssyncset.done @!p2 $0x0  }
0x2e: {  	s11 =	rddreg [dreg:$0x6];
	[sflag:s8] =	ssyncadd.s32 @!p2 $0xFFFFEC00  }
0x2f: {  	[tilespmem:s2], [sflag:$0x7] =	stream.linear.gather [hbm4b:s11+s2], $0x200, $0x38;
	[tilespmem:$0x1A800] =	vst v63  }
0x30: {  	_ =	swait.ge [sflag:s18], $0x200  }
0x31: {  	[sflag:s18] =	ssyncset.done $0x0  }
0x32: {  	s9 =	rddreg [dreg:$0x7];
	[sflag:s18] =	ssyncadd.s32 $0xFFFFFE00  }
0x33: {  	[tilespmem:s19], [sflag:$0x7] =	stream.linear.gather [hbm4b:s9+s2], $0x200, $0x38;
	[tilespmem:$0x1A800] =	vst v63  }
0x34: {  	_ =	swait.ge [sflag:s18], $0x200  }
0x35: {  	[sflag:s18] =	ssyncset.done $0x0  }
0x36: {  	[sflag:s18] =	ssyncadd.s32 $0xFFFFFE00  }
0x37: {  	[bflag:$0x0] =	sbarrier.arrive $0xFFFF  }
0x38: {  	[tilespmem:s20], [sflag:$0x1] =	stream.indirect.gather [hbm4b:s4+s19], $0x40, s2, s19, $0xb8;
	[tilespmem:$0x1A800] =	vst v63  }
0x39: {  	s10 =	rddreg [dreg:$0x8]  }
0x3a: {  	[tilespmem:s21], [sflag:$0x5] =	stream.linear.gather [hbm4b:s10+s2], $0x200, $0x38;
	[tilespmem:$0x1A800] =	vst v63  }
0x3b: {  	_ = 	snop  }
0x3c: {  	[tilespmem:s22], [sflag:$0x6] =	stream.linear.gather [hbm4b:s12+s2], $0x200, $0x38;
	[tilespmem:$0x1A800] =	vst v63  }
0x3d: {  	_ =	swait.ge [sflag:s24], $0x8000  }
0x3e: {  	[sflag:s24] =	ssyncset.done $0x0  }
0x3f: {  	[sflag:s24] =	ssyncadd.s32 $0xFFFF8000  }
0x40: {  	_ =	swait.ge [sflag:s26], $0x200  }
0x41: {  	[sflag:s26] =	ssyncset.done $0x0  }
0x42: {  	[sflag:s26] =	ssyncadd.s32 $0xFFFFFE00  }
0x43: {  	_ =	swait.ge [sflag:s28], $0x200  }
0x44: {  	[sflag:s28] =	ssyncset.done $0x0  }
0x45: {  	[sflag:s28] =	ssyncadd.s32 $0xFFFFFE00  }
0x46: {  	[tilespmem:s29], [sflag:$0x2] =	stream.indirect.gather [hbm4b:s4+s19], $0x40, s21, s19, $0xb8;
	[tilespmem:$0x1A800] =	vst v63  }
0x47: {  	_ = 	snop  }
0x48: {  	[spmem:s1] =	stream.indirect.scatter.add.f32 [tilespmem:s20], [sflag:$0x7], $0x40, s19, s19, $0xb8;
	[tilespmem:$0x1A800] =	vst v63  }
0x49: {  	_ =	swait.ge [sflag:s18], $0x8000  }
0x4a: {  	s8 =	sadd.s32 $0x0, s14;
	[sflag:s18] =	ssyncset.done $0x0  }
0x4b: {  	s11 =	sadd.s32 $0x80, s8;
	s10 =	sadd.s32 $0x0, s15;
	[sflag:s18] =	ssyncadd.s32 $0xFFFF8000  }
0x4c: {  	[tilespmem:s2], [sflag:$0x3] =	stream.linear.gather [hbm4b:s11+s2], $0x200, $0x38;
	[tilespmem:$0x1A800] =	vst v63  }
0x4d: {  	s11 =	sadd.s32 $0x80, s10  }
0x4e: {  	[tilespmem:s19], [sflag:$0x4] =	stream.linear.gather [hbm4b:s11+s2], $0x200, $0x38;
	[tilespmem:$0x1A800] =	vst v63  }
0x4f: {  	_ =	swait.ge [sflag:s30], $0x8000  }
0x50: {  	[sflag:s30] =	ssyncset.done $0x0  }
0x51: {  	[sflag:s30] =	ssyncadd.s32 $0xFFFF8000  }
0x52: {  	_ =	swait.ge [sflag:s31], $0x200  }
0x53: {  	[sflag:s31] =	ssyncset.done $0x0  }
0x54: {  	[sflag:s31] =	ssyncadd.s32 $0xFFFFFE00  }
0x55: {  	_ =	swait.ge [sflag:s0], $0x200  }
0x56: {  	[sflag:s0] =	ssyncset.done $0x0  }
0x57: {  	[sflag:s0] =	ssyncadd.s32 $0xFFFFFE00  }
0x58: {  	[tilespmem:s20], [sflag:$0x1] =	stream.indirect.gather [hbm4b:s4+s19], $0x40, s2, s19, $0xb8;
	[tilespmem:$0x1A800] =	vst v63  }
0x59: {  	_ = 	snop  }
0x5a: {  	[spmem:s1] =	stream.indirect.scatter.add.f32 [tilespmem:s29], [sflag:$0x7], $0x40, s22, s19, $0xb8;
	[tilespmem:$0x1A800] =	vst v63  }
0x5b: {  	_ =	swait.ge [sflag:s18], $0x8000  }
0x5c: {  	[sflag:s18] =	ssyncset.done $0x0  }
0x5d: {  	s8 =	sadd.s32 $0xC0, s8;
	[sflag:s18] =	ssyncadd.s32 $0xFFFF8000  }
0x5e: {  	[tilespmem:s21], [sflag:$0x5] =	stream.linear.gather [hbm4b:s8+s2], $0x200, $0x38;
	[tilespmem:$0x1A800] =	vst v63  }
0x5f: {  	s9 =	sadd.s32 $0xC0, s10;
	s8 =	simm.s32 $0x80  }
.LBB2_2:
0x60: {  	[tilespmem:s22], [sflag:$0x6] =	stream.linear.gather [hbm4b:s9+s2], $0x200, $0x38;
	[tilespmem:$0x1A800] =	vst v63  }
0x61: {  	s9 =	smov.u32 s8  }
0x62: {  	p3 =	sne.s32 s8, $0x400;
	s8 =	sadd.s32 $0x80, s8;
	_ =	swait.ge [sflag:s24], $0x8000  }
0x63: {  	[sflag:s24] =	ssyncset.done $0x0  }
0x64: {  	[sflag:s24] =	ssyncadd.s32 $0xFFFF8000  }
0x65: {  	_ =	swait.ge [sflag:s26], $0x200  }
0x66: {  	[sflag:s26] =	ssyncset.done $0x0  }
0x67: {  	[sflag:s26] =	ssyncadd.s32 $0xFFFFFE00  }
0x68: {  	_ =	swait.ge [sflag:s28], $0x200  }
0x69: {  	[sflag:s28] =	ssyncset.done $0x0  }
0x6a: {  	[sflag:s28] =	ssyncadd.s32 $0xFFFFFE00  }
0x6b: {  	[tilespmem:s29], [sflag:$0x2] =	stream.indirect.gather [hbm4b:s4+s19], $0x40, s21, s19, $0xb8;
	[tilespmem:$0x1A800] =	vst v63  }
0x6c: {  	_ = 	snop  }
0x6d: {  	[spmem:s1] =	stream.indirect.scatter.add.f32 [tilespmem:s20], [sflag:$0x7], $0x40, s19, s19, $0xb8;
	[tilespmem:$0x1A800] =	vst v63  }
0x6e: {  	_ =	swait.ge [sflag:s18], $0x8000  }
0x6f: {  	s10 =	sadd.s32 s9, s14;
	[sflag:s18] =	ssyncset.done $0x0  }
0x70: {  	s9 =	sadd.s32 s9, s15;
	s11 =	sadd.s32 $0x80, s10;
	[sflag:s18] =	ssyncadd.s32 $0xFFFF8000  }
0x71: {  	[tilespmem:s2], [sflag:$0x3] =	stream.linear.gather [hbm4b:s11+s2], $0x200, $0x38;
	[tilespmem:$0x1A800] =	vst v63  }
0x72: {  	s11 =	sadd.s32 $0x80, s9  }
0x73: {  	[tilespmem:s19], [sflag:$0x4] =	stream.linear.gather [hbm4b:s11+s2], $0x200, $0x38;
	[tilespmem:$0x1A800] =	vst v63  }
0x74: {  	_ =	swait.ge [sflag:s30], $0x8000  }
0x75: {  	[sflag:s30] =	ssyncset.done $0x0  }
0x76: {  	[sflag:s30] =	ssyncadd.s32 $0xFFFF8000  }
0x77: {  	_ =	swait.ge [sflag:s31], $0x200  }
0x78: {  	[sflag:s31] =	ssyncset.done $0x0  }
0x79: {  	[sflag:s31] =	ssyncadd.s32 $0xFFFFFE00  }
0x7a: {  	_ =	swait.ge [sflag:s0], $0x200  }
0x7b: {  	[sflag:s0] =	ssyncset.done $0x0  }
0x7c: {  	[sflag:s0] =	ssyncadd.s32 $0xFFFFFE00  }
0x7d: {  	[tilespmem:s20], [sflag:$0x1] =	stream.indirect.gather [hbm4b:s4+s19], $0x40, s2, s19, $0xb8;
	[tilespmem:$0x1A800] =	vst v63  }
0x7e: {  	_ = 	snop  }
0x7f: {  	[spmem:s1] =	stream.indirect.scatter.add.f32 [tilespmem:s29], [sflag:$0x7], $0x40, s22, s19, $0xb8;
	[tilespmem:$0x1A800] =	vst v63  }
.Ltmp0:
0x80: {  	_ =	swait.ge [sflag:s18], $0x8000;
	(pc) =	sbr.rel @p3 .LBB2_2-.Ltmp0, $4  }
0x81: {  	[sflag:s18] =	ssyncset.done $0x0  }
0x82: {  	s10 =	sadd.s32 $0xC0, s10;
	[sflag:s18] =	ssyncadd.s32 $0xFFFF8000  }
0x83: {  	[tilespmem:s21], [sflag:$0x5] =	stream.linear.gather [hbm4b:s10+s2], $0x200, $0x38;
	[tilespmem:$0x1A800] =	vst v63  }
0x84: {  	s9 =	sadd.s32 $0xC0, s9  }
0x85: {  	[tilespmem:s22], [sflag:$0x6] =	stream.linear.gather [hbm4b:s9+s2], $0x200, $0x38;
	[tilespmem:$0x1A800] =	vst v63  }
0x86: {  	_ =	swait.ge [sflag:s24], $0x8000  }
0x87: {  	[sflag:s24] =	ssyncset.done $0x0  }
0x88: {  	[sflag:s24] =	ssyncadd.s32 $0xFFFF8000  }
0x89: {  	_ =	swait.ge [sflag:s26], $0x200  }
0x8a: {  	[sflag:s26] =	ssyncset.done $0x0  }
0x8b: {  	[sflag:s26] =	ssyncadd.s32 $0xFFFFFE00  }
0x8c: {  	_ =	swait.ge [sflag:s28], $0x200  }
0x8d: {  	[sflag:s28] =	ssyncset.done $0x0  }
0x8e: {  	[sflag:s28] =	ssyncadd.s32 $0xFFFFFE00  }
0x8f: {  	[tilespmem:s29], [sflag:$0x2] =	stream.indirect.gather [hbm4b:s4+s19], $0x40, s21, s19, $0xb8;
	[tilespmem:$0x1A800] =	vst v63  }
0x90: {  	_ = 	snop  }
0x91: {  	[spmem:s1] =	stream.indirect.scatter.add.f32 [tilespmem:s20], [sflag:$0x7], $0x40, s19, s19, $0xb8;
	[tilespmem:$0x1A800] =	vst v63  }
0x92: {  	_ =	swait.ge [sflag:s18], $0x8000  }
0x93: {  	[sflag:s18] =	ssyncset.done $0x0  }
0x94: {  	[sflag:s18] =	ssyncadd.s32 $0xFFFF8000  }
0x95: {  	_ =	swait.ge [sflag:s30], $0x8000  }
0x96: {  	[sflag:s30] =	ssyncset.done $0x0  }
0x97: {  	[sflag:s30] =	ssyncadd.s32 $0xFFFF8000  }
0x98: {  	[spmem:s1] =	stream.indirect.scatter.add.f32 [tilespmem:s29], [sflag:$0x7], $0x40, s22, s19, $0xb8;
	[tilespmem:$0x1A800] =	vst v63  }
0x99: {  	_ =	swait.ge [sflag:s18], $0x8000  }
0x9a: {  	s7 =	sadd.s32 $0x1, s7;
	[sflag:s18] =	ssyncset.done $0x0  }
0x9b: {  	s8 =	sshll.u32 s3, $0x6;
	p3 =	sne.s32 s7, s13;
	[sflag:s18] =	ssyncadd.s32 $0xFFFF8000  }
.Ltmp1:
0x9c: {  	s8 =	sor.u32 $0x1C07, s8;
	[bflag:$0x0] =	sbarrier.arrive $0xFFFF;
	(pc) =	sbr.rel @p3 .LBB2_1-.Ltmp1, $4  }
0x9d: {  	[hbm:s23], [sflag:s8] =	dma.local [spmem:s25], $0x1388  }
0x9e: {  	_ =	swait.ge [sflag:s18], $0x1388  }
0x9f: {  	[sflag:s18] =	ssyncset.done $0x0  }
0xa0: {  	[sflag:s18] =	ssyncadd.s32 $0xFFFFEC78  }
0xa1: {  	_ =	sfence.sel $0x180000  }
0xa2: {  	[bflag:$0x0] =	sbarrier.arrive $0xFFFF  }
0xa3: {  	_ =	strace $0x9000004A  }
0xa4: {  	[bflag:$0x2] =	sbarrier.arrive $0xFFFF  }
0xa5: {  	p0 =	sne.s32 s3, $0x0;
	s0 =	rddreg [dreg:$0x3]  }
0xa6: {  	s0 =	sadd.s32 @!p0 $0x100000, s0  }
0xa7: {  	[sflag:s0] =	ssyncadd.tile.s32 @!p0 $0x1;
	_ =	shalt  }
.Lfunc_end2:
_tile_overlayer_lowered:
.L_overlay_start_2:
0xa8: {  	(tag) =	ssettag $0x2  }
0xa9: {  	s0 =	rddreg [dreg:$0x0];
	s2 =	stileid.u32  }
0xaa: {  	s1 =	rddreg [dreg:$0x1];
	p0 =	sne.s32 s2, $0x0  }
0xab: {  	s3 =	rddreg [dreg:$0x2];
	[bflag:$0x3] =	sbarrier.arrive $0xFFFF;
	s2 =	simm.s32 @!p0 $0x1C07  }
0xac: {  	[timem:s3], [sflag:s2] =	dma.local @!p0 [hbm:s0], s1  }
0xad: {  	s0 =	simm.s32 @!p0 $0x7  }
0xae: {  	_ =	swait.ge @!p0 [sflag:s0], s1  }
0xaf: {  	s1 =	ssub.s32 @!p0 $0x0, s1;
	[sflag:s0] =	ssyncset.done @!p0 $0x0  }
0xb0: {  	[sflag:s0] =	ssyncadd.s32 @!p0 s1  }
0xb1: {  	[bflag:$0x3] =	sbarrier.arrive $0xFFFF  }
0xb2: {  	_ =	shalt  }

// kernel: _run.13.cloned.1.call-start
scs
__scs_entry_jumppad:
0x0: {  	(pc) =	sbr.rel $0x88, $3  }
0x1: {  	(tag) =	ssettag $0x0;
	lr =	simm.s32 $0x1  }
0x2: {  	[smem:$0x3F9B] =	sst lr;
	_ =	strace $0xD0000000  }
0x3: {  	_ = 	snop  }
0x4: {  	_ = 	snop  }
0x5: {  	_ = 	snop  }
0x6: {  	_ = 	snop  }
0x7: {  	_ = 	snop  }
__scs_overlays_trampoline_lowered:
0x8: {  	[smem:$0x3FAA] =	sst s0  }
0x9: {  	[smem:$0x3FAB] =	sst s1  }
0xa: {  	[smem:$0x3FAC] =	sst s2  }
0xb: {  	[smem:$0x3FAD] =	sst s3  }
0xc: {  	[smem:$0x3FAE] =	sst s4  }
0xd: {  	[smem:$0x3FAF] =	sst s5  }
0xe: {  	[smem:$0x3FB0] =	sst s6  }
0xf: {  	[smem:$0x3FB1] =	sst s7  }
0x10: {  	[smem:$0x3FB2] =	sst s8  }
0x11: {  	[smem:$0x3FB3] =	sst s9;
	s0 =	simm.s32 @!p0 $0x0  }
0x12: {  	s1 =	sld [smem:$0x3F99];
	s0 =	simm.s32 @p0 $0x1  }
0x13: {  	[smem:$0x3FB4] =	sst s0;
	s0 =	simm.s32 @!p1 $0x0  }
0x14: {  	s2 =	sld [smem:$0x3F98];
	s0 =	simm.s32 @p1 $0x1  }
0x15: {  	[smem:$0x3FB5] =	sst s0;
	s0 =	simm.s32 @!p2 $0x0  }
0x16: {  	s3 =	sld [smem:$0x3FDB];
	s0 =	simm.s32 @p2 $0x1  }
0x17: {  	s4 =	simm.s32 $0x1BF5;
	[smem:$0x3FB7] =	sst s0  }
0x18: {  	s0 =	sld [smem:$0x3F9A];
	_ =	swait.ge [sflag:s4], $0x0  }
0x19: {  	s7 =	sld [smem:$0x3F9B]  }
0x1a: {  	s8 =	sadd.s32 $0xFFFFE003, lr  }
0x1b: {  	s9 =	sadd.s32 $0xFFFFFEF7, lr;
	s5 =	simm.s32 $0xFFFFFFFF;
	p2 =	slt.u32 s8, $0xFFFFF086  }
0x1c: {  	p1 =	slt.u32 s9, $0xF7A;
	s5 =	simm.s32 @!p2 $0x0  }
0x1d: {  	s5 =	simm.s32 @p1 $0x1;
	p0 =	seq.s32 s7, s2  }
0x1e: {  	s7 =	smul.u32 @!p0 $0xF7A, s2;
	p2 =	seq.s32 @!p0 s5, $0x0  }
0x1f: {  	s9 =	smul.u32 $0xF7A, s1;
	s8 =	simm.s32 @!p0 $0x1BF5;
	p2 =	por !p2, p0  }
0x20: {  	[sflag:s8] =	ssyncset.s32 @!p0 $0xFFFFF086;
	s6 =	sadd.s32 @!p0 s3, s7;
	s7 =	simm.s32 @!p0 $0x108  }
0x21: {  	s3 =	sadd.s32 s3, s9;
	s6 =	sadd.s32 @!p0 $0x88, s6;
	s7 =	simm.s32 @p2 $0x1082  }
0x22: {  	[simem:s7], [sflag:s8] =	dma.local @!p0 [hbm:s6], $0xF7A  }
0x23: {  	s9 =	sor.u32 $0xD0000000, s2;
	s6 =	simm.s32 $0x108;
	_ =	swait.ge @!p0 [sflag:s8], $0x0  }
0x24: {  	s3 =	sadd.s32 $0x88, s3;
	s6 =	simm.s32 @!p1 $0x1082;
	[sflag:s4] =	ssyncset.s32 $0xFFFFF086  }
0x25: {  	[simem:s6], [sflag:s4] =	dma.local [hbm:s3], $0xF7A  }
0x26: {  	[smem:$0x3F9B] =	sst s1;
	(tag) =	ssettag s2;
	_ =	strace s9  }
0x27: {  	s1 =	sld [smem:$0x3FAB]  }
0x28: {  	s2 =	sld [smem:$0x3FAC]  }
0x29: {  	s4 =	sld [smem:$0x3FAE]  }
0x2a: {  	p0 =	seq.s32 s5, $0x0;
	s5 =	sld [smem:$0x3FAF]  }
0x2b: {  	s6 =	sld [smem:$0x3FB0]  }
0x2c: {  	s7 =	sld [smem:$0x3FB1]  }
0x2d: {  	s3 =	simm.s32 $0x108;
	s8 =	sld [smem:$0x3FB2]  }
0x2e: {  	s3 =	simm.s32 @!p0 $0x1082;
	s9 =	sld [smem:$0x3FB3]  }
0x2f: {  	lr =	sadd.s32 s0, s3;
	s0 =	sld [smem:$0x3FAA]  }
0x30: {  	s3 =	sld [smem:$0x3FAD]  }
0x31: {  	[smem:$0x3FB6] =	sst s10  }
0x32: {  	s10 =	sld [smem:$0x3FB4];
	_ =	sdelay $0x3  }
0x33: {  	p0 =	seq.s32 s10, $0x1;
	s10 =	sld [smem:$0x3FB6];
	_ =	sdelay $0x3  }
0x34: {  	[smem:$0x3FB6] =	sst s10  }
0x35: {  	s10 =	sld [smem:$0x3FB5];
	_ =	sdelay $0x3  }
0x36: {  	p1 =	seq.s32 s10, $0x1;
	s10 =	sld [smem:$0x3FB6];
	_ =	sdelay $0x3  }
0x37: {  	[smem:$0x3FB6] =	sst s10  }
0x38: {  	s10 =	sld [smem:$0x3FB7]  }
0x39: {  	_ = 	snop;
	(pc) =	sbr.ind lr, $3  }
0x3a: {  	_ = 	snop  }
0x3b: {  	_ = 	snop  }
0x3c: {  	p2 =	seq.s32 s10, $0x1;
	s10 =	sld [smem:$0x3FB6]  }
0x3d: {  	_ =	shalt  }
0x3e: {  	_ =	shalt  }
0x3f: {  	_ =	shalt  }
0x40: {  	_ =	shalt  }
0x41: {  	_ =	shalt  }
0x42: {  	_ =	shalt  }
0x43: {  	_ =	shalt  }
0x44: {  	_ =	shalt  }
0x45: {  	_ =	shalt  }
0x46: {  	_ =	shalt  }
0x47: {  	_ =	shalt  }
0x48: {  	_ =	shalt  }
0x49: {  	_ =	shalt  }
0x4a: {  	_ =	shalt  }
0x4b: {  	_ =	shalt  }
0x4c: {  	_ =	shalt  }
0x4d: {  	_ =	shalt  }
0x4e: {  	_ =	shalt  }
0x4f: {  	_ =	shalt  }
0x50: {  	_ =	shalt  }
0x51: {  	_ =	shalt  }
0x52: {  	_ =	shalt  }
0x53: {  	_ =	shalt  }
0x54: {  	_ =	shalt  }
0x55: {  	_ =	shalt  }
0x56: {  	_ =	shalt  }
0x57: {  	_ =	shalt  }
0x58: {  	_ =	shalt  }
0x59: {  	_ =	shalt  }
0x5a: {  	_ =	shalt  }
0x5b: {  	_ =	shalt  }
0x5c: {  	_ =	shalt  }
0x5d: {  	_ =	shalt  }
0x5e: {  	_ =	shalt  }
0x5f: {  	_ =	shalt  }
0x60: {  	_ =	shalt  }
0x61: {  	_ =	shalt  }
0x62: {  	_ =	shalt  }
0x63: {  	_ =	shalt  }
0x64: {  	_ =	shalt  }
0x65: {  	_ =	shalt  }
0x66: {  	_ =	shalt  }
0x67: {  	_ =	shalt  }
0x68: {  	_ =	shalt  }
0x69: {  	_ =	shalt  }
0x6a: {  	_ =	shalt  }
0x6b: {  	_ =	shalt  }
0x6c: {  	_ =	shalt  }
0x6d: {  	_ =	shalt  }
0x6e: {  	_ =	shalt  }
0x6f: {  	_ =	shalt  }
0x70: {  	_ =	shalt  }
0x71: {  	_ =	shalt  }
0x72: {  	_ =	shalt  }
0x73: {  	_ =	shalt  }
0x74: {  	_ =	shalt  }
0x75: {  	_ =	shalt  }
0x76: {  	_ =	shalt  }
0x77: {  	_ =	shalt  }
0x78: {  	_ =	shalt  }
0x79: {  	_ =	shalt  }
0x7a: {  	_ =	shalt  }
0x7b: {  	_ =	shalt  }
0x7c: {  	_ =	shalt  }
0x7d: {  	_ =	shalt  }
0x7e: {  	_ =	shalt  }
0x7f: {  	_ =	shalt  }
0x80: {  	_ =	shalt  }
0x81: {  	_ =	shalt  }
0x82: {  	_ =	shalt  }
0x83: {  	_ =	shalt  }
0x84: {  	_ =	shalt  }
0x85: {  	_ =	shalt  }
0x86: {  	_ =	shalt  }
0x87: {  	_ =	shalt  }
.Lfunc_end0:
.L_simem_size_0:
called_computation.2_lowered:
.L_overlay_start_0:
0x88: {  	s2 =	sld [smem:$0x3FD9]  }
0x89: {  	s3 =	sld [smem:$0x3FFE];
	_ =	sdelay $0x1  }
0x8a: {  	s1 =	srdreg.scid  }
0x8b: {  	s0 =	sand.u32 $0x1, s1  }
0x8c: {  	s17 =	sshll.u32 s0, $0xA;
	s2 =	sadd.s32 s3, s2  }
0x8d: {  	s2 =	sadd.s32 s2, s17  }
0x8e: {  	[smem:$0x3FC2] =	sst s2  }
0x8f: {  	_ = 	snop  }
0x90: {  	s2 =	sld [smem:$0x3FD0];
	(tm) =	ssettm $0x1  }
0x91: {  	s18 =	sld [smem:$0x3FFB];
	_ =	sdelay $0x3  }
0x92: {  	_ =	strace s18  }
0x93: {  	s3 =	sld [smem:$0x3FFC];
	_ =	sdelay $0x3  }
0x94: {  	_ =	strace s3  }
0x95: {  	s3 =	sld [smem:$0x3FFD];
	_ =	sdelay $0x3  }
0x96: {  	_ =	strace s3  }
0x97: {  	_ =	strace $0x8FFFFFFF  }
0x98: {  	s19 =	sld [smem:$0x3FDB];
	_ =	sdelay $0x1  }
0x99: {  	s4 =	simm.s32 $_scs_section_size  }
0x9a: {  	s5 =	simm.s32 $_size__tile_overlayer_lowered;
	s6 =	simm.s32 $_tile_overlayer_lowered  }
0x9b: {  	s22 =	simm.s32 $0x1BFF;
	s21 =	sshll.u32 s6, $0x1;
	s3 =	sadd.s32 s4, s19  }
0x9c: {  	s7 =	simm.s32 $0x0;
	s20 =	sshll.u32 s5, $0x1;
	s5 =	sadd.s32 s21, s3  }
0x9d: {  	[timem:s7], [sflag:s22] =	dma.local [hbm:s5], s20  }
0x9e: {  	_ =	swait.ge [sflag:s22], s20  }
0x9f: {  	s4 =	ssub.s32 $0x0, s20;
	[sflag:s22] =	ssyncset.done $0x0  }
0xa0: {  	[sflag:s22] =	ssyncadd.s32 s4;
	_ =	sdelay $0x1  }
0xa1: {  	s23 =	simm.s32 $0x1B8B  }
0xa2: {  	_ =	swait.ge [sflag:s23], $0x1  }
0xa3: {  	[sflag:s23] =	ssyncset.done $0x0  }
0xa4: {  	s25 =	simm.s32 $0x1B8E;
	s24 =	sld [smem:$0x3FFE];
	[sflag:s23] =	ssyncadd.s32 $0xFFFFFFFF  }
0xa5: {  	s26 =	simm.s32 $execute0_lowered;
	[smem:$0x3FD2] =	sst s25  }
0xa6: {  	s5 =	sshll.u32 s26, $0x1;
	_ =	strace $0x8000004C;
	[dreg:$0x1] =	wrdreg $0xFFFFFFFF  }
0xa7: {  	s28 =	simm.s32 $_size_execute0_lowered;
	s3 =	sadd.s32 s3, s5;
	[dreg:$0x0] =	wrdreg $0x0  }
0xa8: {  	s5 =	sshll.u32 s28, $0x1;
	[dreg:$0x2] =	wrdreg s3  }
0xa9: {  	[dreg:$0x3] =	wrdreg s5  }
0xaa: {  	[dreg:$0x4] =	wrdreg $0xC0  }
0xab: {  	_ =	task [dreg:s7], $0x5FFFF  }
0xac: {  	[dreg:$0x1] =	wrdreg $0xFFFFFFFF  }
0xad: {  	[dreg:$0x0] =	wrdreg $0x60  }
0xae: {  	[dreg:$0x2] =	wrdreg s2  }
0xaf: {  	[dreg:$0x3] =	wrdreg s24  }
0xb0: {  	[dreg:$0x4] =	wrdreg $0x108000  }
0xb1: {  	[dreg:$0x5] =	wrdreg $0x9  }
0xb2: {  	_ =	task.clear_ibuf [dreg:s7], $0x6FFFF;
	_ =	strace $0x9000004C  }
0xb3: {  	s29 =	simm.s32 $0x9;
	_ =	strace $0x8000004E  }
0xb4: {  	_ =	swait.ge [sflag:s29], $0x1  }
0xb5: {  	[sflag:s29] =	ssyncadd.s32 $0xFFFFFFFF  }
0xb6: {  	_ =	strace $0x9000004E  }
0xb7: {  	_ =	sfence  }
0xb8: {  	s30 =	sld [smem:$0x0];
	_ =	sdelay $0x2  }
0xb9: {  	s31 =	sshll.u32 s1, $0xD;
	s1 =	sshrl.u32 s1, $0x2  }
0xba: {  	s3 =	sand.u32 $0x4000, s31;
	s1 =	sadd.s32 s1, s30  }
0xbb: {  	s0 =	sor.u32 s3, s0;
	s1 =	sshll.u32 s1, $0x11  }
0xbc: {  	s0 =	sor.u32 s1, s0  }
0xbd: {  	s0 =	sadd.s32 $0x8F2B, s0  }
0xbe: {  	[sflag:s0] =	ssyncadd.remote.s32 $0x1  }
0xbf: {  	_ =	sfence.sel $0xFFFF  }
0xc0: {  	[dreg:$0x0] =	wrdreg $0xFFFFFFFF;
	(pc) =	sbr.abs _section_cstart, $3  }
0xc1: {  	[dreg:$0x1] =	wrdreg $0xFFFFFFFF  }
0xc2: {  	_ =	task.clear_ibuf [dreg:s7], $0x2FFFF;
	_ =	strace $0x9FFFFFFF  }
0xc3: {  	(tm) =	ssettm $0x7FFFFFFF  }
tec
execute0_lowered:
.L_overlay_start_1:
0x0: {  	(tag) =	ssettag $0x1  }
0x1: {  	s0 =	rddreg [dreg:$0x0]  }
0x2: {  	s3 =	rddreg [dreg:$0x1]  }
0x3: {  	s1 =	rddreg [dreg:$0x2];
	s2 =	simm.s32 $0x0;
	s4 =	srdreg.scid  }
0x4: {  	s15 =	stileid.u32;
	s17 =	simm.s32 $0x7;
	s18 =	simm.s32 $0x200  }
0x5: {  	s19 =	simm.s32 $0x800;
	s20 =	simm.s32 $0x400;
	s21 =	simm.s32 $0x600  }
0x6: {  	s28 =	simm.s32 $0x8800;
	s29 =	simm.s32 $0x2;
	s30 =	simm.s32 $0x3  }
0x7: {  	s31 =	simm.s32 $0x4;
	[smem:$0x7FF] =	sst s2;
	s6 =	smul.u32 $0xA000, s15  }
0x8: {  	s4 =	sand.u32 $0x1, s4;
	s8 =	sadd.s32 $0xB400, s3;
	s10 =	smul.u32 $0x28000, s15  }
0x9: {  	s9 =	sadd.s32 $0x1400, s3;
	s7 =	sadd.s32 $0x77000, s3;
	s24 =	smul.u32 $0xA00, s15  }
0xa: {  	s14 =	sadd.s32 $0x9C400, s1;
	s12 =	smul.u32 $0x9C40, s15;
	p0 =	seq.s32 s15, $0xF  }
0xb: {  	_ =	strace $0x8000004D;
	s5 =	smul.u32 $0x13880, s4;
	s4 =	ssub.s32 $0x2, s4  }
0xc: {  	[dreg:$0x4] =	wrdreg s7;
	s14 =	sshrl.u32 @p0 s14, $0x3;
	s22 =	sshrl.u32 s4, $0x1  }
0xd: {  	s16 =	sadd.s32 s6, s1;
	s23 =	sshrl.u32 s10, $0x2;
	s11 =	sshrl.u32 s6, $0x3  }
0xe: {  	s6 =	sadd.s32 s8, s24;
	s25 =	sor.u32 $0x40, s24;
	s7 =	sadd.s32 s9, s24  }
0xf: {  	s24 =	simm.s32 $0x5;
	s3 =	sadd.s32 s5, s3;
	s4 =	ssub.s32 s4, s22  }
0x10: {  	s5 =	sadd.s32 s0, s5;
	s0 =	sadd.s32 s23, s1;
	s8 =	sadd.s32 s8, s25  }
0x11: {  	s26 =	sadd.s32 s9, s25;
	s23 =	sshrl.u32 s12, $0x3;
	s25 =	sadd.s32 s12, s1  }
0x12: {  	s16 =	sshrl.u32 @!p0 s16, $0x3;
	s22 =	simm.s32 $0x1;
	[dreg:$0x5] =	wrdreg s8  }
0x13: {  	[dreg:$0x6] =	wrdreg s26;
	s3 =	sadd.s32 $0x15400, s3;
	s10 =	smax.u32 s4, $0x1  }
0x14: {  	s11 =	sadd.s32 s11, s5;
	s12 =	sadd.s32 $0x12C00, s5;
	s13 =	sshrl.u32 @p0 s0, $0x3  }
0x15: {  	s0 =	sshll.u32 @!p0 s15, $0x6;
	s25 =	sshrl.u32 s25, $0x3;
	s26 =	simm.s32 $0x6  }
0x16: {  	s15 =	sor.u32 @!p0 $0x1C07, s0;
	s23 =	sadd.s32 s23, s3;
	s0 =	simm.s32 $0x0  }
.LBB2_1:
0x17: {  	s3 =	simm.s32 @p0 $0x1FC7;
	s4 =	simm.s32 @p0 $0x7  }
0x18: {  	[spmem:s13], [sflag:s3] =	dma.local @p0 [hbm:s12], $0xC80  }
0x19: {  	_ =	swait.ge @p0 [sflag:s4], $0xC80  }
0x1a: {  	[sflag:s4] =	ssyncset.done @p0 $0x0  }
0x1b: {  	s8 =	rddreg [dreg:$0x4];
	[sflag:s4] =	ssyncadd.s32 @p0 $0xFFFFF380  }
0x1c: {  	[spmem:s14], [sflag:s3] =	dma.local @p0 [hbm:s8], $0x780  }
0x1d: {  	_ =	swait.ge @p0 [sflag:s4], $0x780  }
0x1e: {  	[sflag:s4] =	ssyncset.done @p0 $0x0  }
0x1f: {  	s3 =	simm.s32 @!p0 $0x7;
	[sflag:s4] =	ssyncadd.s32 @p0 $0xFFFFF880  }
0x20: {  	[spmem:s16], [sflag:s15] =	dma.local @!p0 [hbm:s11], $0x1400  }
0x21: {  	_ =	swait.ge @!p0 [sflag:s3], $0x1400  }
0x22: {  	[sflag:s3] =	ssyncset.done @!p0 $0x0  }
0x23: {  	[sflag:s3] =	ssyncadd.s32 @!p0 $0xFFFFEC00  }
0x24: {  	[tilespmem:s2], [sflag:$0x7] =	stream.linear.gather [hbm4b:s6+s2], $0x200, $0x38;
	[tilespmem:$0x1A800] =	vst v63  }
0x25: {  	_ =	swait.ge [sflag:s17], $0x200  }
0x26: {  	[sflag:s17] =	ssyncset.done $0x0  }
0x27: {  	[sflag:s17] =	ssyncadd.s32 $0xFFFFFE00  }
0x28: {  	[tilespmem:s18], [sflag:$0x7] =	stream.linear.gather [hbm4b:s7+s2], $0x200, $0x38;
	[tilespmem:$0x1A800] =	vst v63  }
0x29: {  	_ =	swait.ge [sflag:s17], $0x200  }
0x2a: {  	[sflag:s17] =	ssyncset.done $0x0  }
0x2b: {  	[sflag:s17] =	ssyncadd.s32 $0xFFFFFE00  }
0x2c: {  	[bflag:$0x0] =	sbarrier.arrive $0xFFFF  }
0x2d: {  	[tilespmem:s19], [sflag:$0x1] =	stream.indirect.gather [hbm4b:s5+s18], $0x40, s2, s18, $0xb8;
	[tilespmem:$0x1A800] =	vst v63  }
0x2e: {  	s4 =	rddreg [dreg:$0x5]  }
0x2f: {  	[tilespmem:s20], [sflag:$0x5] =	stream.linear.gather [hbm4b:s4+s2], $0x200, $0x38;
	[tilespmem:$0x1A800] =	vst v63  }
0x30: {  	s8 =	rddreg [dreg:$0x6]  }
0x31: {  	[tilespmem:s21], [sflag:$0x6] =	stream.linear.gather [hbm4b:s8+s2], $0x200, $0x38;
	[tilespmem:$0x1A800] =	vst v63  }
0x32: {  	_ =	swait.ge [sflag:s22], $0x8000  }
0x33: {  	[sflag:s22] =	ssyncset.done $0x0  }
0x34: {  	[sflag:s22] =	ssyncadd.s32 $0xFFFF8000  }
0x35: {  	_ =	swait.ge [sflag:s24], $0x200  }
0x36: {  	[sflag:s24] =	ssyncset.done $0x0  }
0x37: {  	[sflag:s24] =	ssyncadd.s32 $0xFFFFFE00  }
0x38: {  	_ =	swait.ge [sflag:s26], $0x200  }
0x39: {  	[sflag:s26] =	ssyncset.done $0x0  }
0x3a: {  	[sflag:s26] =	ssyncadd.s32 $0xFFFFFE00  }
0x3b: {  	[tilespmem:s28], [sflag:$0x2] =	stream.indirect.gather [hbm4b:s5+s18], $0x40, s20, s18, $0xb8;
	[tilespmem:$0x1A800] =	vst v63  }
0x3c: {  	_ = 	snop  }
0x3d: {  	[spmem:s1] =	stream.indirect.scatter.add.f32 [tilespmem:s19], [sflag:$0x7], $0x40, s18, s18, $0xb8;
	[tilespmem:$0x1A800] =	vst v63  }
0x3e: {  	_ =	swait.ge [sflag:s17], $0x8000  }
0x3f: {  	s3 =	sadd.s32 $0xFFFFF680, s6;
	[sflag:s17] =	ssyncset.done $0x0  }
0x40: {  	s9 =	sadd.s32 $0xA00, s3;
	s8 =	sadd.s32 $0xFFFFF680, s7;
	[sflag:s17] =	ssyncadd.s32 $0xFFFF8000  }
0x41: {  	[tilespmem:s2], [sflag:$0x3] =	stream.linear.gather [hbm4b:s9+s2], $0x200, $0x38;
	[tilespmem:$0x1A800] =	vst v63  }
0x42: {  	s9 =	sadd.s32 $0xA00, s8  }
0x43: {  	[tilespmem:s18], [sflag:$0x4] =	stream.linear.gather [hbm4b:s9+s2], $0x200, $0x38;
	[tilespmem:$0x1A800] =	vst v63  }
0x44: {  	_ =	swait.ge [sflag:s29], $0x8000  }
0x45: {  	[sflag:s29] =	ssyncset.done $0x0  }
0x46: {  	[sflag:s29] =	ssyncadd.s32 $0xFFFF8000  }
0x47: {  	_ =	swait.ge [sflag:s30], $0x200  }
0x48: {  	[sflag:s30] =	ssyncset.done $0x0  }
0x49: {  	[sflag:s30] =	ssyncadd.s32 $0xFFFFFE00  }
0x4a: {  	_ =	swait.ge [sflag:s31], $0x200  }
0x4b: {  	[sflag:s31] =	ssyncset.done $0x0  }
0x4c: {  	[sflag:s31] =	ssyncadd.s32 $0xFFFFFE00  }
0x4d: {  	[tilespmem:s19], [sflag:$0x1] =	stream.indirect.gather [hbm4b:s5+s18], $0x40, s2, s18, $0xb8;
	[tilespmem:$0x1A800] =	vst v63  }
0x4e: {  	_ = 	snop  }
0x4f: {  	[spmem:s1] =	stream.indirect.scatter.add.f32 [tilespmem:s28], [sflag:$0x7], $0x40, s21, s18, $0xb8;
	[tilespmem:$0x1A800] =	vst v63  }
0x50: {  	_ =	swait.ge [sflag:s17], $0x8000  }
0x51: {  	[sflag:s17] =	ssyncset.done $0x0  }
0x52: {  	s3 =	sadd.s32 $0xA40, s3;
	[sflag:s17] =	ssyncadd.s32 $0xFFFF8000  }
0x53: {  	[tilespmem:s20], [sflag:$0x5] =	stream.linear.gather [hbm4b:s3+s2], $0x200, $0x38;
	[tilespmem:$0x1A800] =	vst v63  }
0x54: {  	s4 =	sadd.s32 $0xA40, s8;
	s3 =	simm.s32 $0xFFFFF700  }
.LBB2_2:
0x55: {  	[tilespmem:s21], [sflag:$0x6] =	stream.linear.gather [hbm4b:s4+s2], $0x200, $0x38;
	[tilespmem:$0x1A800] =	vst v63  }
0x56: {  	s4 =	smov.u32 s3  }
0x57: {  	p1 =	sne.s32 s3, $0xFFFFFF80;
	s3 =	sadd.s32 $0x80, s3;
	_ =	swait.ge [sflag:s22], $0x8000  }
0x58: {  	[sflag:s22] =	ssyncset.done $0x0  }
0x59: {  	[sflag:s22] =	ssyncadd.s32 $0xFFFF8000  }
0x5a: {  	_ =	swait.ge [sflag:s24], $0x200  }
0x5b: {  	[sflag:s24] =	ssyncset.done $0x0  }
0x5c: {  	[sflag:s24] =	ssyncadd.s32 $0xFFFFFE00  }
0x5d: {  	_ =	swait.ge [sflag:s26], $0x200  }
0x5e: {  	[sflag:s26] =	ssyncset.done $0x0  }
0x5f: {  	[sflag:s26] =	ssyncadd.s32 $0xFFFFFE00  }
0x60: {  	[tilespmem:s28], [sflag:$0x2] =	stream.indirect.gather [hbm4b:s5+s18], $0x40, s20, s18, $0xb8;
	[tilespmem:$0x1A800] =	vst v63  }
0x61: {  	_ = 	snop  }
0x62: {  	[spmem:s1] =	stream.indirect.scatter.add.f32 [tilespmem:s19], [sflag:$0x7], $0x40, s18, s18, $0xb8;
	[tilespmem:$0x1A800] =	vst v63  }
0x63: {  	_ =	swait.ge [sflag:s17], $0x8000  }
0x64: {  	s8 =	sadd.s32 s4, s6;
	[sflag:s17] =	ssyncset.done $0x0  }
0x65: {  	s4 =	sadd.s32 s4, s7;
	s9 =	sadd.s32 $0xA00, s8;
	[sflag:s17] =	ssyncadd.s32 $0xFFFF8000  }
0x66: {  	[tilespmem:s2], [sflag:$0x3] =	stream.linear.gather [hbm4b:s9+s2], $0x200, $0x38;
	[tilespmem:$0x1A800] =	vst v63  }
0x67: {  	s9 =	sadd.s32 $0xA00, s4  }
0x68: {  	[tilespmem:s18], [sflag:$0x4] =	stream.linear.gather [hbm4b:s9+s2], $0x200, $0x38;
	[tilespmem:$0x1A800] =	vst v63  }
0x69: {  	_ =	swait.ge [sflag:s29], $0x8000  }
0x6a: {  	[sflag:s29] =	ssyncset.done $0x0  }
0x6b: {  	[sflag:s29] =	ssyncadd.s32 $0xFFFF8000  }
0x6c: {  	_ =	swait.ge [sflag:s30], $0x200  }
0x6d: {  	[sflag:s30] =	ssyncset.done $0x0  }
0x6e: {  	[sflag:s30] =	ssyncadd.s32 $0xFFFFFE00  }
0x6f: {  	_ =	swait.ge [sflag:s31], $0x200  }
0x70: {  	[sflag:s31] =	ssyncset.done $0x0  }
0x71: {  	[sflag:s31] =	ssyncadd.s32 $0xFFFFFE00  }
0x72: {  	[tilespmem:s19], [sflag:$0x1] =	stream.indirect.gather [hbm4b:s5+s18], $0x40, s2, s18, $0xb8;
	[tilespmem:$0x1A800] =	vst v63  }
0x73: {  	_ = 	snop  }
0x74: {  	[spmem:s1] =	stream.indirect.scatter.add.f32 [tilespmem:s28], [sflag:$0x7], $0x40, s21, s18, $0xb8;
	[tilespmem:$0x1A800] =	vst v63  }
.Ltmp0:
0x75: {  	_ =	swait.ge [sflag:s17], $0x8000;
	(pc) =	sbr.rel @p1 .LBB2_2-.Ltmp0, $4  }
0x76: {  	[sflag:s17] =	ssyncset.done $0x0  }
0x77: {  	s8 =	sadd.s32 $0xA40, s8;
	[sflag:s17] =	ssyncadd.s32 $0xFFFF8000  }
0x78: {  	[tilespmem:s20], [sflag:$0x5] =	stream.linear.gather [hbm4b:s8+s2], $0x200, $0x38;
	[tilespmem:$0x1A800] =	vst v63  }
0x79: {  	s4 =	sadd.s32 $0xA40, s4  }
0x7a: {  	[tilespmem:s21], [sflag:$0x6] =	stream.linear.gather [hbm4b:s4+s2], $0x200, $0x38;
	[tilespmem:$0x1A800] =	vst v63  }
0x7b: {  	_ =	swait.ge [sflag:s22], $0x8000  }
0x7c: {  	[sflag:s22] =	ssyncset.done $0x0  }
0x7d: {  	[sflag:s22] =	ssyncadd.s32 $0xFFFF8000  }
0x7e: {  	_ =	swait.ge [sflag:s24], $0x200  }
0x7f: {  	[sflag:s24] =	ssyncset.done $0x0  }
0x80: {  	[sflag:s24] =	ssyncadd.s32 $0xFFFFFE00  }
0x81: {  	_ =	swait.ge [sflag:s26], $0x200  }
0x82: {  	[sflag:s26] =	ssyncset.done $0x0  }
0x83: {  	[sflag:s26] =	ssyncadd.s32 $0xFFFFFE00  }
0x84: {  	[tilespmem:s28], [sflag:$0x2] =	stream.indirect.gather [hbm4b:s5+s18], $0x40, s20, s18, $0xb8;
	[tilespmem:$0x1A800] =	vst v63  }
0x85: {  	_ = 	snop  }
0x86: {  	[spmem:s1] =	stream.indirect.scatter.add.f32 [tilespmem:s19], [sflag:$0x7], $0x40, s18, s18, $0xb8;
	[tilespmem:$0x1A800] =	vst v63  }
0x87: {  	_ =	swait.ge [sflag:s17], $0x8000  }
0x88: {  	[sflag:s17] =	ssyncset.done $0x0  }
0x89: {  	[sflag:s17] =	ssyncadd.s32 $0xFFFF8000  }
0x8a: {  	_ =	swait.ge [sflag:s29], $0x8000  }
0x8b: {  	[sflag:s29] =	ssyncset.done $0x0  }
0x8c: {  	[sflag:s29] =	ssyncadd.s32 $0xFFFF8000  }
0x8d: {  	[spmem:s1] =	stream.indirect.scatter.add.f32 [tilespmem:s28], [sflag:$0x7], $0x40, s21, s18, $0xb8;
	[tilespmem:$0x1A800] =	vst v63  }
0x8e: {  	_ =	swait.ge [sflag:s17], $0x8000  }
0x8f: {  	s3 =	stileid.u32;
	s0 =	sadd.s32 $0x1, s0;
	[sflag:s17] =	ssyncset.done $0x0  }
0x90: {  	s3 =	sshll.u32 s3, $0x6;
	p1 =	sne.s32 s0, s10;
	[sflag:s17] =	ssyncadd.s32 $0xFFFF8000  }
.Ltmp1:
0x91: {  	s3 =	sor.u32 $0x1C07, s3;
	[bflag:$0x0] =	sbarrier.arrive $0xFFFF;
	(pc) =	sbr.rel @p1 .LBB2_1-.Ltmp1, $4  }
0x92: {  	[hbm:s23], [sflag:s3] =	dma.local [spmem:s25], $0x1388  }
0x93: {  	_ =	swait.ge [sflag:s17], $0x1388  }
0x94: {  	[sflag:s17] =	ssyncset.done $0x0  }
0x95: {  	[sflag:s17] =	ssyncadd.s32 $0xFFFFEC78  }
0x96: {  	_ =	sfence.sel $0x180000  }
0x97: {  	[bflag:$0x0] =	sbarrier.arrive $0xFFFF  }
0x98: {  	_ =	strace $0x9000004D  }
0x99: {  	s0 =	stileid.u32;
	[bflag:$0x2] =	sbarrier.arrive $0xFFFF  }
0x9a: {  	p0 =	sne.s32 s0, $0x0;
	s0 =	rddreg [dreg:$0x3]  }
0x9b: {  	s0 =	sadd.s32 @!p0 $0x100000, s0  }
0x9c: {  	[sflag:s0] =	ssyncadd.tile.s32 @!p0 $0x1;
	_ =	shalt  }
.Lfunc_end2:
_tile_overlayer_lowered:
.L_overlay_start_2:
0x9d: {  	(tag) =	ssettag $0x2  }
0x9e: {  	s0 =	rddreg [dreg:$0x0];
	s2 =	stileid.u32  }
0x9f: {  	s1 =	rddreg [dreg:$0x1];
	p0 =	sne.s32 s2, $0x0  }
0xa0: {  	s3 =	rddreg [dreg:$0x2];
	[bflag:$0x3] =	sbarrier.arrive $0xFFFF;
	s2 =	simm.s32 @!p0 $0x1C07  }
0xa1: {  	[timem:s3], [sflag:s2] =	dma.local @!p0 [hbm:s0], s1  }
0xa2: {  	s0 =	simm.s32 @!p0 $0x7  }
0xa3: {  	_ =	swait.ge @!p0 [sflag:s0], s1  }
0xa4: {  	s1 =	ssub.s32 @!p0 $0x0, s1;
	[sflag:s0] =	ssyncset.done @!p0 $0x0  }
0xa5: {  	[sflag:s0] =	ssyncadd.s32 @!p0 s1  }
0xa6: {  	[bflag:$0x3] =	sbarrier.arrive $0xFFFF  }
0xa7: {  	_ =	shalt  }

// kernel: _run.7.cloned.1.call-start
scs
__scs_entry_jumppad:
0x0: {  	(pc) =	sbr.rel $0x88, $3  }
0x1: {  	(tag) =	ssettag $0x0;
	lr =	simm.s32 $0x1  }
0x2: {  	[smem:$0x3F9B] =	sst lr;
	_ =	strace $0xD0000000  }
0x3: {  	_ = 	snop  }
0x4: {  	_ = 	snop  }
0x5: {  	_ = 	snop  }
0x6: {  	_ = 	snop  }
0x7: {  	_ = 	snop  }
__scs_overlays_trampoline_lowered:
0x8: {  	[smem:$0x3FAA] =	sst s0  }
0x9: {  	[smem:$0x3FAB] =	sst s1  }
0xa: {  	[smem:$0x3FAC] =	sst s2  }
0xb: {  	[smem:$0x3FAD] =	sst s3  }
0xc: {  	[smem:$0x3FAE] =	sst s4  }
0xd: {  	[smem:$0x3FAF] =	sst s5  }
0xe: {  	[smem:$0x3FB0] =	sst s6  }
0xf: {  	[smem:$0x3FB1] =	sst s7  }
0x10: {  	[smem:$0x3FB2] =	sst s8  }
0x11: {  	[smem:$0x3FB3] =	sst s9;
	s0 =	simm.s32 @!p0 $0x0  }
0x12: {  	s1 =	sld [smem:$0x3F99];
	s0 =	simm.s32 @p0 $0x1  }
0x13: {  	[smem:$0x3FB4] =	sst s0;
	s0 =	simm.s32 @!p1 $0x0  }
0x14: {  	s2 =	sld [smem:$0x3F98];
	s0 =	simm.s32 @p1 $0x1  }
0x15: {  	[smem:$0x3FB5] =	sst s0;
	s0 =	simm.s32 @!p2 $0x0  }
0x16: {  	s3 =	sld [smem:$0x3FDB];
	s0 =	simm.s32 @p2 $0x1  }
0x17: {  	s4 =	simm.s32 $0x1BF5;
	[smem:$0x3FB7] =	sst s0  }
0x18: {  	s0 =	sld [smem:$0x3F9A];
	_ =	swait.ge [sflag:s4], $0x0  }
0x19: {  	s7 =	sld [smem:$0x3F9B]  }
0x1a: {  	s8 =	sadd.s32 $0xFFFFE003, lr  }
0x1b: {  	s9 =	sadd.s32 $0xFFFFFEF7, lr;
	s5 =	simm.s32 $0xFFFFFFFF;
	p2 =	slt.u32 s8, $0xFFFFF086  }
0x1c: {  	p1 =	slt.u32 s9, $0xF7A;
	s5 =	simm.s32 @!p2 $0x0  }
0x1d: {  	s5 =	simm.s32 @p1 $0x1;
	p0 =	seq.s32 s7, s2  }
0x1e: {  	s7 =	smul.u32 @!p0 $0xF7A, s2;
	p2 =	seq.s32 @!p0 s5, $0x0  }
0x1f: {  	s9 =	smul.u32 $0xF7A, s1;
	s8 =	simm.s32 @!p0 $0x1BF5;
	p2 =	por !p2, p0  }
0x20: {  	[sflag:s8] =	ssyncset.s32 @!p0 $0xFFFFF086;
	s6 =	sadd.s32 @!p0 s3, s7;
	s7 =	simm.s32 @!p0 $0x108  }
0x21: {  	s3 =	sadd.s32 s3, s9;
	s6 =	sadd.s32 @!p0 $0x88, s6;
	s7 =	simm.s32 @p2 $0x1082  }
0x22: {  	[simem:s7], [sflag:s8] =	dma.local @!p0 [hbm:s6], $0xF7A  }
0x23: {  	s9 =	sor.u32 $0xD0000000, s2;
	s6 =	simm.s32 $0x108;
	_ =	swait.ge @!p0 [sflag:s8], $0x0  }
0x24: {  	s3 =	sadd.s32 $0x88, s3;
	s6 =	simm.s32 @!p1 $0x1082;
	[sflag:s4] =	ssyncset.s32 $0xFFFFF086  }
0x25: {  	[simem:s6], [sflag:s4] =	dma.local [hbm:s3], $0xF7A  }
0x26: {  	[smem:$0x3F9B] =	sst s1;
	(tag) =	ssettag s2;
	_ =	strace s9  }
0x27: {  	s1 =	sld [smem:$0x3FAB]  }
0x28: {  	s2 =	sld [smem:$0x3FAC]  }
0x29: {  	s4 =	sld [smem:$0x3FAE]  }
0x2a: {  	p0 =	seq.s32 s5, $0x0;
	s5 =	sld [smem:$0x3FAF]  }
0x2b: {  	s6 =	sld [smem:$0x3FB0]  }
0x2c: {  	s7 =	sld [smem:$0x3FB1]  }
0x2d: {  	s3 =	simm.s32 $0x108;
	s8 =	sld [smem:$0x3FB2]  }
0x2e: {  	s3 =	simm.s32 @!p0 $0x1082;
	s9 =	sld [smem:$0x3FB3]  }
0x2f: {  	lr =	sadd.s32 s0, s3;
	s0 =	sld [smem:$0x3FAA]  }
0x30: {  	s3 =	sld [smem:$0x3FAD]  }
0x31: {  	[smem:$0x3FB6] =	sst s10  }
0x32: {  	s10 =	sld [smem:$0x3FB4];
	_ =	sdelay $0x3  }
0x33: {  	p0 =	seq.s32 s10, $0x1;
	s10 =	sld [smem:$0x3FB6];
	_ =	sdelay $0x3  }
0x34: {  	[smem:$0x3FB6] =	sst s10  }
0x35: {  	s10 =	sld [smem:$0x3FB5];
	_ =	sdelay $0x3  }
0x36: {  	p1 =	seq.s32 s10, $0x1;
	s10 =	sld [smem:$0x3FB6];
	_ =	sdelay $0x3  }
0x37: {  	[smem:$0x3FB6] =	sst s10  }
0x38: {  	s10 =	sld [smem:$0x3FB7]  }
0x39: {  	_ = 	snop;
	(pc) =	sbr.ind lr, $3  }
0x3a: {  	_ = 	snop  }
0x3b: {  	_ = 	snop  }
0x3c: {  	p2 =	seq.s32 s10, $0x1;
	s10 =	sld [smem:$0x3FB6]  }
0x3d: {  	_ =	shalt  }
0x3e: {  	_ =	shalt  }
0x3f: {  	_ =	shalt  }
0x40: {  	_ =	shalt  }
0x41: {  	_ =	shalt  }
0x42: {  	_ =	shalt  }
0x43: {  	_ =	shalt  }
0x44: {  	_ =	shalt  }
0x45: {  	_ =	shalt  }
0x46: {  	_ =	shalt  }
0x47: {  	_ =	shalt  }
0x48: {  	_ =	shalt  }
0x49: {  	_ =	shalt  }
0x4a: {  	_ =	shalt  }
0x4b: {  	_ =	shalt  }
0x4c: {  	_ =	shalt  }
0x4d: {  	_ =	shalt  }
0x4e: {  	_ =	shalt  }
0x4f: {  	_ =	shalt  }
0x50: {  	_ =	shalt  }
0x51: {  	_ =	shalt  }
0x52: {  	_ =	shalt  }
0x53: {  	_ =	shalt  }
0x54: {  	_ =	shalt  }
0x55: {  	_ =	shalt  }
0x56: {  	_ =	shalt  }
0x57: {  	_ =	shalt  }
0x58: {  	_ =	shalt  }
0x59: {  	_ =	shalt  }
0x5a: {  	_ =	shalt  }
0x5b: {  	_ =	shalt  }
0x5c: {  	_ =	shalt  }
0x5d: {  	_ =	shalt  }
0x5e: {  	_ =	shalt  }
0x5f: {  	_ =	shalt  }
0x60: {  	_ =	shalt  }
0x61: {  	_ =	shalt  }
0x62: {  	_ =	shalt  }
0x63: {  	_ =	shalt  }
0x64: {  	_ =	shalt  }
0x65: {  	_ =	shalt  }
0x66: {  	_ =	shalt  }
0x67: {  	_ =	shalt  }
0x68: {  	_ =	shalt  }
0x69: {  	_ =	shalt  }
0x6a: {  	_ =	shalt  }
0x6b: {  	_ =	shalt  }
0x6c: {  	_ =	shalt  }
0x6d: {  	_ =	shalt  }
0x6e: {  	_ =	shalt  }
0x6f: {  	_ =	shalt  }
0x70: {  	_ =	shalt  }
0x71: {  	_ =	shalt  }
0x72: {  	_ =	shalt  }
0x73: {  	_ =	shalt  }
0x74: {  	_ =	shalt  }
0x75: {  	_ =	shalt  }
0x76: {  	_ =	shalt  }
0x77: {  	_ =	shalt  }
0x78: {  	_ =	shalt  }
0x79: {  	_ =	shalt  }
0x7a: {  	_ =	shalt  }
0x7b: {  	_ =	shalt  }
0x7c: {  	_ =	shalt  }
0x7d: {  	_ =	shalt  }
0x7e: {  	_ =	shalt  }
0x7f: {  	_ =	shalt  }
0x80: {  	_ =	shalt  }
0x81: {  	_ =	shalt  }
0x82: {  	_ =	shalt  }
0x83: {  	_ =	shalt  }
0x84: {  	_ =	shalt  }
0x85: {  	_ =	shalt  }
0x86: {  	_ =	shalt  }
0x87: {  	_ =	shalt  }
.Lfunc_end0:
.L_simem_size_0:
called_computation_lowered:
.L_overlay_start_0:
0x88: {  	s2 =	sld [smem:$0x3FD9]  }
0x89: {  	s3 =	sld [smem:$0x3FFE];
	_ =	sdelay $0x1  }
0x8a: {  	s1 =	srdreg.scid  }
0x8b: {  	s0 =	sand.u32 $0x1, s1  }
0x8c: {  	s17 =	sshll.u32 s0, $0xA;
	s2 =	sadd.s32 s3, s2  }
0x8d: {  	s2 =	sadd.s32 s2, s17  }
0x8e: {  	[smem:$0x3FC2] =	sst s2  }
0x8f: {  	_ = 	snop  }
0x90: {  	s2 =	sld [smem:$0x3FD0];
	(tm) =	ssettm $0x1  }
0x91: {  	s18 =	sld [smem:$0x3FFB];
	_ =	sdelay $0x3  }
0x92: {  	_ =	strace s18  }
0x93: {  	s3 =	sld [smem:$0x3FFC];
	_ =	sdelay $0x3  }
0x94: {  	_ =	strace s3  }
0x95: {  	s3 =	sld [smem:$0x3FFD];
	_ =	sdelay $0x3  }
0x96: {  	_ =	strace s3  }
0x97: {  	_ =	strace $0x8FFFFFFF  }
0x98: {  	s19 =	sld [smem:$0x3FDB];
	_ =	sdelay $0x1  }
0x99: {  	s4 =	simm.s32 $_scs_section_size  }
0x9a: {  	s5 =	simm.s32 $_size__tile_overlayer_lowered;
	s6 =	simm.s32 $_tile_overlayer_lowered  }
0x9b: {  	s22 =	simm.s32 $0x1BFF;
	s21 =	sshll.u32 s6, $0x1;
	s3 =	sadd.s32 s4, s19  }
0x9c: {  	s7 =	simm.s32 $0x0;
	s20 =	sshll.u32 s5, $0x1;
	s5 =	sadd.s32 s21, s3  }
0x9d: {  	[timem:s7], [sflag:s22] =	dma.local [hbm:s5], s20  }
0x9e: {  	_ =	swait.ge [sflag:s22], s20  }
0x9f: {  	s4 =	ssub.s32 $0x0, s20;
	[sflag:s22] =	ssyncset.done $0x0  }
0xa0: {  	[sflag:s22] =	ssyncadd.s32 s4;
	_ =	sdelay $0x1  }
0xa1: {  	s23 =	simm.s32 $0x1B8B  }
0xa2: {  	_ =	swait.ge [sflag:s23], $0x1  }
0xa3: {  	[sflag:s23] =	ssyncset.done $0x0  }
0xa4: {  	s25 =	simm.s32 $0x1B8E;
	s24 =	sld [smem:$0x3FFE];
	[sflag:s23] =	ssyncadd.s32 $0xFFFFFFFF  }
0xa5: {  	s26 =	simm.s32 $execute0_lowered;
	[smem:$0x3FD2] =	sst s25  }
0xa6: {  	s5 =	sshll.u32 s26, $0x1;
	_ =	strace $0x80000046;
	[dreg:$0x1] =	wrdreg $0xFFFFFFFF  }
0xa7: {  	s28 =	simm.s32 $_size_execute0_lowered;
	s3 =	sadd.s32 s3, s5;
	[dreg:$0x0] =	wrdreg $0x0  }
0xa8: {  	s5 =	sshll.u32 s28, $0x1;
	[dreg:$0x2] =	wrdreg s3  }
0xa9: {  	[dreg:$0x3] =	wrdreg s5  }
0xaa: {  	[dreg:$0x4] =	wrdreg $0xC0  }
0xab: {  	_ =	task [dreg:s7], $0x5FFFF  }
0xac: {  	[dreg:$0x1] =	wrdreg $0xFFFFFFFF  }
0xad: {  	[dreg:$0x0] =	wrdreg $0x60  }
0xae: {  	[dreg:$0x2] =	wrdreg s24  }
0xaf: {  	[dreg:$0x3] =	wrdreg s2  }
0xb0: {  	[dreg:$0x4] =	wrdreg $0x24000  }
0xb1: {  	[dreg:$0x5] =	wrdreg $0x9  }
0xb2: {  	_ =	task.clear_ibuf [dreg:s7], $0x6FFFF;
	_ =	strace $0x90000046  }
0xb3: {  	s29 =	simm.s32 $0x9;
	_ =	strace $0x80000048  }
0xb4: {  	_ =	swait.ge [sflag:s29], $0x1  }
0xb5: {  	[sflag:s29] =	ssyncadd.s32 $0xFFFFFFFF  }
0xb6: {  	_ =	strace $0x90000048  }
0xb7: {  	_ =	sfence  }
0xb8: {  	s30 =	sld [smem:$0x0];
	_ =	sdelay $0x2  }
0xb9: {  	s31 =	sshll.u32 s1, $0xD;
	s1 =	sshrl.u32 s1, $0x2  }
0xba: {  	s3 =	sand.u32 $0x4000, s31;
	s1 =	sadd.s32 s1, s30  }
0xbb: {  	s0 =	sor.u32 s3, s0;
	s1 =	sshll.u32 s1, $0x11  }
0xbc: {  	s0 =	sor.u32 s1, s0  }
0xbd: {  	s0 =	sadd.s32 $0x8F2B, s0  }
0xbe: {  	[sflag:s0] =	ssyncadd.remote.s32 $0x1  }
0xbf: {  	_ =	sfence.sel $0xFFFF  }
0xc0: {  	[dreg:$0x0] =	wrdreg $0xFFFFFFFF;
	(pc) =	sbr.abs _section_cstart, $3  }
0xc1: {  	[dreg:$0x1] =	wrdreg $0xFFFFFFFF  }
0xc2: {  	_ =	task.clear_ibuf [dreg:s7], $0x2FFFF;
	_ =	strace $0x9FFFFFFF  }
0xc3: {  	(tm) =	ssettm $0x7FFFFFFF  }
tec
execute0_lowered:
.L_overlay_start_1:
0x0: {  	(tag) =	ssettag $0x1  }
0x1: {  	s5 =	rddreg [dreg:$0x0]  }
0x2: {  	s9 =	rddreg [dreg:$0x1]  }
0x3: {  	s1 =	rddreg [dreg:$0x2]  }
0x4: {  	s0 =	rddreg [dreg:$0x3];
	s2 =	simm.s32 $0x0  }
0x5: {  	s4 =	srdreg.scid;
	s3 =	stileid.u32;
	s16 =	simm.s32 $0x200  }
0x6: {  	s17 =	simm.s32 $0x2;
	s18 =	simm.s32 $0x1;
	[smem:$0x7FF] =	sst s2  }
0x7: {  	s10 =	sadd.s32 $0x1400, s5;
	s11 =	sand.u32 $0x1, s4;
	s7 =	smul.u32 $0xA000, s3  }
0x8: {  	s4 =	sadd.s32 $0x15400, s5;
	s5 =	sadd.s32 $0x15800, s5;
	s15 =	smul.u32 $0x2710, s3  }
0x9: {  	s29 =	sshll.u32 s3, $0x6;
	s30 =	smul.u32 $0x500, s3;
	_ =	strace $0x80000047  }
0xa: {  	s6 =	sshll.u32 s11, $0x4;
	s8 =	ssub.s32 $0x2, s11;
	s14 =	smul.u32 $0x4E20, s11  }
0xb: {  	s11 =	smul.u32 $0x5000, s11;
	s6 =	sor.u32 s3, s6;
	s12 =	sshrl.u32 s8, $0x1  }
0xc: {  	s7 =	sshrl.u32 s7, $0x2;
	s20 =	sshrl.u32 s15, $0x3;
	s21 =	sadd.s32 s15, s1  }
0xd: {  	s15 =	simm.s32 $0x400;
	s6 =	smul.u32 $0x500, s6;
	s12 =	ssub.s32 s8, s12  }
0xe: {  	s13 =	sadd.s32 s7, s1;
	s7 =	sor.u32 $0x1C03, s29;
	s19 =	sadd.s32 s9, s14  }
0xf: {  	s31 =	sadd.s32 s11, s10;
	s14 =	simm.s32 $0x3;
	s9 =	smax.u32 s12, $0x1  }
0x10: {  	s12 =	sadd.s32 s30, s31;
	s13 =	sshrl.u32 s13, $0x3;
	s19 =	sadd.s32 s20, s19  }
0x11: {  	s20 =	sshrl.u32 s21, $0x3;
	s21 =	simm.s32 $0x0;
	s6 =	sadd.s32 s10, s6  }
0x12: {  	s8 =	sadd.s32 $0x40, s6;
	s10 =	sadd.s32 $0x80, s6;
	s11 =	sadd.s32 $0xC0, s6  }
.LBB2_1:
0x13: {  	[spmem:s13], [sflag:s7] =	dma.local [hbm:s5], $0x500  }
0x14: {  	_ =	swait.ge [sflag:s14], $0x500  }
0x15: {  	[sflag:s14] =	ssyncset.done $0x0  }
0x16: {  	[sflag:s14] =	ssyncadd.s32 $0xFFFFFB00  }
0x17: {  	[tilespmem:s15], [sflag:$0x3] =	stream.linear.gather [hbm4b:s4+s2], $0x2000, $0x38;
	[tilespmem:$0x4C00] =	vst v63  }
0x18: {  	_ =	swait.ge [sflag:s14], $0x2000  }
0x19: {  	[sflag:s14] =	ssyncset.done $0x0  }
0x1a: {  	[sflag:s14] =	ssyncadd.s32 $0xFFFFE000  }
0x1b: {  	[tilespmem:s2], [sflag:$0x3] =	stream.linear.gather [hbm4b:s6+s2], $0x200, $0x38;
	[tilespmem:$0x4C00] =	vst v63  }
0x1c: {  	_ =	swait.ge [sflag:s14], $0x200  }
0x1d: {  	[sflag:s14] =	ssyncset.done $0x0  }
0x1e: {  	[sflag:s14] =	ssyncadd.s32 $0xFFFFFE00  }
0x1f: {  	[bflag:$0x0] =	sbarrier.arrive $0xFFFF  }
0x20: {  	[tilespmem:s16], [sflag:$0x2] =	stream.linear.gather [hbm4b:s8+s2], $0x200, $0x38;
	[tilespmem:$0x4C00] =	vst v63  }
0x21: {  	_ = 	snop  }
0x22: {  	[spmem:s1] =	stream.indirect.scatter.add.f32 [tilespmem:s15], [sflag:$0x3], $0x10, s2, s16, $0xb8;
	[tilespmem:$0x4C00] =	vst v63  }
0x23: {  	_ =	swait.ge [sflag:s14], $0x2000  }
0x24: {  	[sflag:s14] =	ssyncset.done $0x0  }
0x25: {  	[sflag:s14] =	ssyncadd.s32 $0xFFFFE000  }
0x26: {  	[tilespmem:s2], [sflag:$0x1] =	stream.linear.gather [hbm4b:s10+s2], $0x200, $0x38;
	[tilespmem:$0x4C00] =	vst v63  }
0x27: {  	_ =	swait.ge [sflag:s17], $0x200  }
0x28: {  	[sflag:s17] =	ssyncset.done $0x0  }
0x29: {  	[sflag:s17] =	ssyncadd.s32 $0xFFFFFE00  }
0x2a: {  	[spmem:s1] =	stream.indirect.scatter.add.f32 [tilespmem:s15], [sflag:$0x3], $0x10, s16, s16, $0xb8;
	[tilespmem:$0x4C00] =	vst v63  }
0x2b: {  	_ =	swait.ge [sflag:s14], $0x2000  }
0x2c: {  	[sflag:s14] =	ssyncset.done $0x0  }
0x2d: {  	[sflag:s14] =	ssyncadd.s32 $0xFFFFE000  }
0x2e: {  	[tilespmem:s16], [sflag:$0x2] =	stream.linear.gather [hbm4b:s11+s2], $0x200, $0x38;
	[tilespmem:$0x4C00] =	vst v63  }
0x2f: {  	_ =	swait.ge [sflag:s18], $0x200  }
0x30: {  	[sflag:s18] =	ssyncset.done $0x0  }
0x31: {  	[sflag:s18] =	ssyncadd.s32 $0xFFFFFE00  }
0x32: {  	[spmem:s1] =	stream.indirect.scatter.add.f32 [tilespmem:s15], [sflag:$0x3], $0x10, s2, s16, $0xb8;
	[tilespmem:$0x4C00] =	vst v63  }
0x33: {  	_ =	swait.ge [sflag:s14], $0x2000  }
0x34: {  	s22 =	sadd.s32 $0xFFFFFC00, s12;
	[sflag:s14] =	ssyncset.done $0x0  }
0x35: {  	s23 =	sadd.s32 $0x500, s22;
	[sflag:s14] =	ssyncadd.s32 $0xFFFFE000  }
0x36: {  	[tilespmem:s2], [sflag:$0x1] =	stream.linear.gather [hbm4b:s23+s2], $0x200, $0x38;
	[tilespmem:$0x4C00] =	vst v63  }
0x37: {  	_ =	swait.ge [sflag:s17], $0x200  }
0x38: {  	[sflag:s17] =	ssyncset.done $0x0  }
0x39: {  	[sflag:s17] =	ssyncadd.s32 $0xFFFFFE00  }
0x3a: {  	[spmem:s1] =	stream.indirect.scatter.add.f32 [tilespmem:s15], [sflag:$0x3], $0x10, s16, s16, $0xb8;
	[tilespmem:$0x4C00] =	vst v63  }
0x3b: {  	_ =	swait.ge [sflag:s14], $0x2000  }
0x3c: {  	[sflag:s14] =	ssyncset.done $0x0  }
0x3d: {  	s22 =	sadd.s32 $0x540, s22;
	[sflag:s14] =	ssyncadd.s32 $0xFFFFE000  }
0x3e: {  	[tilespmem:s16], [sflag:$0x2] =	stream.linear.gather [hbm4b:s22+s2], $0x200, $0x38;
	[tilespmem:$0x4C00] =	vst v63  }
0x3f: {  	_ =	swait.ge [sflag:s18], $0x200  }
0x40: {  	[sflag:s18] =	ssyncset.done $0x0  }
0x41: {  	[sflag:s18] =	ssyncadd.s32 $0xFFFFFE00  }
0x42: {  	[spmem:s1] =	stream.indirect.scatter.add.f32 [tilespmem:s15], [sflag:$0x3], $0x10, s2, s16, $0xb8;
	[tilespmem:$0x4C00] =	vst v63  }
0x43: {  	_ =	swait.ge [sflag:s14], $0x2000  }
0x44: {  	s23 =	simm.s32 $0xFFFFFD00;
	s22 =	sadd.s32 $0xFFFFFC80, s12;
	[sflag:s14] =	ssyncset.done $0x0  }
.LBB2_2:
0x45: {  	s24 =	sadd.s32 $0x500, s22  }
0x46: {  	[sflag:s14] =	ssyncadd.s32 $0xFFFFE000;
	s25 =	smov.u32 s23;
	s26 =	sadd.s32 $0x80, s23  }
0x47: {  	[tilespmem:s2], [sflag:$0x1] =	stream.linear.gather [hbm4b:s24+s2], $0x200, $0x38;
	[tilespmem:$0x4C00] =	vst v63  }
0x48: {  	p0 =	sne.s32 s23, $0xFFFFFF80;
	_ =	swait.ge [sflag:s17], $0x200  }
0x49: {  	[sflag:s17] =	ssyncset.done $0x0  }
0x4a: {  	[sflag:s17] =	ssyncadd.s32 $0xFFFFFE00  }
0x4b: {  	[spmem:s1] =	stream.indirect.scatter.add.f32 [tilespmem:s15], [sflag:$0x3], $0x10, s16, s16, $0xb8;
	[tilespmem:$0x4C00] =	vst v63  }
0x4c: {  	_ =	swait.ge [sflag:s14], $0x2000  }
0x4d: {  	[sflag:s14] =	ssyncset.done $0x0  }
0x4e: {  	s22 =	sadd.s32 $0x540, s22;
	[sflag:s14] =	ssyncadd.s32 $0xFFFFE000  }
0x4f: {  	[tilespmem:s16], [sflag:$0x2] =	stream.linear.gather [hbm4b:s22+s2], $0x200, $0x38;
	[tilespmem:$0x4C00] =	vst v63  }
0x50: {  	_ =	swait.ge [sflag:s18], $0x200  }
.Ltmp0:
0x51: {  	[sflag:s18] =	ssyncset.done $0x0;
	(pc) =	sbr.rel @p0 .LBB2_2-.Ltmp0, $4  }
0x52: {  	[sflag:s18] =	ssyncadd.s32 $0xFFFFFE00  }
0x53: {  	[spmem:s1] =	stream.indirect.scatter.add.f32 [tilespmem:s15], [sflag:$0x3], $0x10, s2, s16, $0xb8;
	[tilespmem:$0x4C00] =	vst v63  }
0x54: {  	_ =	swait.ge [sflag:s14], $0x2000  }
0x55: {  	s23 =	smov.u32 s26;
	s22 =	sadd.s32 s25, s12;
	[sflag:s14] =	ssyncset.done $0x0  }
0x56: {  	s23 =	sadd.s32 $0x500, s22;
	[sflag:s14] =	ssyncadd.s32 $0xFFFFE000  }
0x57: {  	[tilespmem:s2], [sflag:$0x1] =	stream.linear.gather [hbm4b:s23+s2], $0x200, $0x38;
	[tilespmem:$0x4C00] =	vst v63  }
0x58: {  	_ =	swait.ge [sflag:s17], $0x200  }
0x59: {  	[sflag:s17] =	ssyncset.done $0x0  }
0x5a: {  	[sflag:s17] =	ssyncadd.s32 $0xFFFFFE00  }
0x5b: {  	[spmem:s1] =	stream.indirect.scatter.add.f32 [tilespmem:s15], [sflag:$0x3], $0x10, s16, s16, $0xb8;
	[tilespmem:$0x4C00] =	vst v63  }
0x5c: {  	_ =	swait.ge [sflag:s14], $0x2000  }
0x5d: {  	[sflag:s14] =	ssyncset.done $0x0  }
0x5e: {  	s31 =	sadd.s32 $0x540, s22;
	[sflag:s14] =	ssyncadd.s32 $0xFFFFE000  }
0x5f: {  	[tilespmem:s16], [sflag:$0x2] =	stream.linear.gather [hbm4b:s31+s2], $0x200, $0x38;
	[tilespmem:$0x4C00] =	vst v63  }
0x60: {  	_ =	swait.ge [sflag:s18], $0x200  }
0x61: {  	[sflag:s18] =	ssyncset.done $0x0  }
0x62: {  	[sflag:s18] =	ssyncadd.s32 $0xFFFFFE00  }
0x63: {  	[spmem:s1] =	stream.indirect.scatter.add.f32 [tilespmem:s15], [sflag:$0x3], $0x10, s2, s16, $0xb8;
	[tilespmem:$0x4C00] =	vst v63  }
0x64: {  	_ =	swait.ge [sflag:s14], $0x2000  }
0x65: {  	[sflag:s14] =	ssyncset.done $0x0  }
0x66: {  	[sflag:s14] =	ssyncadd.s32 $0xFFFFE000  }
0x67: {  	_ =	swait.ge [sflag:s17], $0x200  }
0x68: {  	[sflag:s17] =	ssyncset.done $0x0  }
0x69: {  	[sflag:s17] =	ssyncadd.s32 $0xFFFFFE00  }
0x6a: {  	[spmem:s1] =	stream.indirect.scatter.add.f32 [tilespmem:s15], [sflag:$0x3], $0x10, s16, s16, $0xb8;
	[tilespmem:$0x4C00] =	vst v63  }
0x6b: {  	_ =	swait.ge [sflag:s14], $0x2000  }
0x6c: {  	s21 =	sadd.s32 $0x1, s21;
	[sflag:s14] =	ssyncset.done $0x0  }
0x6d: {  	p0 =	sne.s32 s21, s9;
	[sflag:s14] =	ssyncadd.s32 $0xFFFFE000  }
.Ltmp1:
0x6e: {  	[bflag:$0x0] =	sbarrier.arrive $0xFFFF;
	(pc) =	sbr.rel @p0 .LBB2_1-.Ltmp1, $4  }
0x6f: {  	[hbm:s19], [sflag:s7] =	dma.local [spmem:s20], $0x4E2  }
0x70: {  	_ =	swait.ge [sflag:s14], $0x4E2  }
0x71: {  	[sflag:s14] =	ssyncset.done $0x0  }
0x72: {  	[sflag:s14] =	ssyncadd.s32 $0xFFFFFB1E  }
0x73: {  	_ =	sfence.sel $0x180000  }
0x74: {  	[bflag:$0x0] =	sbarrier.arrive $0xFFFF  }
0x75: {  	p0 =	sne.s32 s3, $0x0;
	_ =	strace $0x90000047  }
0x76: {  	s0 =	sadd.s32 @!p0 $0x100000, s0;
	[bflag:$0x2] =	sbarrier.arrive $0xFFFF  }
0x77: {  	[sflag:s0] =	ssyncadd.tile.s32 @!p0 $0x1;
	_ =	shalt  }
.Lfunc_end2:
_tile_overlayer_lowered:
.L_overlay_start_2:
0x78: {  	(tag) =	ssettag $0x2  }
0x79: {  	s0 =	rddreg [dreg:$0x0];
	s2 =	stileid.u32  }
0x7a: {  	s1 =	rddreg [dreg:$0x1];
	p0 =	sne.s32 s2, $0x0  }
0x7b: {  	s3 =	rddreg [dreg:$0x2];
	[bflag:$0x3] =	sbarrier.arrive $0xFFFF;
	s2 =	simm.s32 @!p0 $0x1C03  }
0x7c: {  	[timem:s3], [sflag:s2] =	dma.local @!p0 [hbm:s0], s1  }
0x7d: {  	s0 =	simm.s32 @!p0 $0x3  }
0x7e: {  	_ =	swait.ge @!p0 [sflag:s0], s1  }
0x7f: {  	s1 =	ssub.s32 @!p0 $0x0, s1;
	[sflag:s0] =	ssyncset.done @!p0 $0x0  }
0x80: {  	[sflag:s0] =	ssyncadd.s32 @!p0 s1  }
0x81: {  	[bflag:$0x3] =	sbarrier.arrive $0xFFFF  }
0x82: {  	_ =	shalt  }

</sc_bundles>
